<compile_context>
chip_gen: v7x
topology: tpu7x:2x2x1
jax: 0.10.2.dev20260603
libtpu: 0.0.44.dev20260713+nightly
codegen_flags: <defaults>
</compile_context>

<pallas_src>
import jax
import jax.numpy as jnp
import numpy as np
from jax import lax
from jax.experimental import pallas as pl
from jax.experimental.pallas import tpu as pltpu
from jax.experimental.pallas import tpu_sc as plsc

_LEVELS = 16
_TABLE_SIZE = 524288
_N = 262144
_MASK = _TABLE_SIZE - 1

_P1 = np.uint32(2654435761)
_P2 = np.uint32(805459861)

_NC = 2
_NS = 16
_PPW = _N // (_NC * _NS)
_C = 512
_NCHUNK = _PPW // _C
_PP = 32
_G = _PP * 8
_NPIECE = _C // _PP
_RPL = _TABLE_SIZE // 64


def _res_values():
    b = np.exp((np.log(512.0) - np.log(16.0)) / (_LEVELS - 1))
    return np.floor(16.0 * (b ** np.arange(_LEVELS))).astype(np.float32)


def _body(x_hbm, tab_hbm, res_hbm, out_hbm, xbuf, fbuf, idxbuf, lobuf,
          feat_a, feat_b, ob, resbuf, sem_a, sem_b):
    sid = lax.axis_index("s")
    wid = lax.axis_index("c") * _NS + sid
    base = wid * _PPW
    iota = lax.iota(jnp.int32, 16)
    pltpu.sync_copy(x_hbm.at[:, pl.ds(base, _PPW)], xbuf)
    pltpu.sync_copy(res_hbm, resbuf)
    res_vec = resbuf[pl.ds(0, 16)]

    def level_body(l, carry0):
        res_l = jnp.sum(jnp.where(iota == l, res_vec, 0.0))
        lbase = l * _RPL

        def chunk_body(ci, carry):
            cb = ci * _C

            def pass_a(j, c2):
                off = cb + j * 16
                sx = xbuf[0, pl.ds(off, 16)] * res_l
                sy = xbuf[1, pl.ds(off, 16)] * res_l
                sz = xbuf[2, pl.ds(off, 16)] * res_l
                cx = sx.astype(jnp.int32)
                cy = sy.astype(jnp.int32)
                cz = sz.astype(jnp.int32)
                o = j * 16
                fbuf[0, pl.ds(o, 16)] = sx - cx.astype(jnp.float32)
                fbuf[1, pl.ds(o, 16)] = sy - cy.astype(jnp.float32)
                fbuf[2, pl.ds(o, 16)] = sz - cz.astype(jnp.float32)
                ux = cx.astype(jnp.uint32)
                uy = cy.astype(jnp.uint32)
                uz = cz.astype(jnp.uint32)
                hx = (ux, ux + np.uint32(1))
                hy = (uy * _P1, (uy + np.uint32(1)) * _P1)
                hz = (uz * _P2, (uz + np.uint32(1)) * _P2)
                pbase = (j // 2) * _G + (j % 2) * 16
                for c in range(8):
                    h = hx[(c >> 2) & 1] ^ hy[(c >> 1) & 1] ^ hz[c & 1]
                    hm = (h & np.uint32(_MASK)).astype(jnp.int32)
                    idxbuf[pl.ds(pbase + c * _PP, 16)] = (
                        lbase + (hm >> 6))
                    lobuf[pl.ds(pbase + c * _PP, 16)] = (
                        (hm & 63) * 2)
                return c2

            lax.fori_loop(0, _C // 16, pass_a, 0)

            def fire(g, fb, sem):
                pltpu.async_copy(
                    tab_hbm.at[idxbuf.at[pl.ds(g * _G, _G)]], fb, sem)

            def drain(fb, sem):
                pltpu.make_async_copy(
                    tab_hbm.at[idxbuf.at[pl.ds(0, _G)]], fb, sem).wait()

            def pass_b_piece(g, fb):
                def pass_b(b, c3):
                    o = g * _PP + b * 16
                    f0 = fbuf[0, pl.ds(o, 16)]
                    f1 = fbuf[1, pl.ds(o, 16)]
                    f2 = fbuf[2, pl.ds(o, 16)]
                    wx = (1.0 - f0, f0)
                    wy = (1.0 - f1, f1)
                    wz = (1.0 - f2, f2)
                    acc0 = jnp.zeros(16, jnp.float32)
                    acc1 = jnp.zeros(16, jnp.float32)
                    rb = b * 16 + iota
                    sb = b * 16
                    for c in range(8):
                        w = wx[(c >> 2) & 1] * wy[(c >> 1) & 1] * wz[c & 1]
                        lo = lobuf[pl.ds(g * _G + c * _PP + sb, 16)]
                        rows = rb + c * _PP
                        a0 = plsc.load_gather(fb, [rows, lo])
                        a1 = plsc.load_gather(fb, [rows, lo + 1])
                        acc0 = acc0 + a0 * w
                        acc1 = acc1 + a1 * w
                    ob[0, pl.ds(cb + o, 16)] = acc0
                    ob[1, pl.ds(cb + o, 16)] = acc1
                    return c3

                lax.fori_loop(0, _PP // 16, pass_b, 0)

            fire(0, feat_a, sem_a)
            fire(1, feat_b, sem_b)

            def pair_body(gg, c2):
                g0 = gg * 2
                drain(feat_a, sem_a)
                pass_b_piece(g0, feat_a)
                fire(g0 + 2, feat_a, sem_a)
                drain(feat_b, sem_b)
                pass_b_piece(g0 + 1, feat_b)
                fire(g0 + 3, feat_b, sem_b)
                return c2

            lax.fori_loop(0, _NPIECE // 2 - 1, pair_body, 0)
            drain(feat_a, sem_a)
            pass_b_piece(_NPIECE - 2, feat_a)
            drain(feat_b, sem_b)
            pass_b_piece(_NPIECE - 1, feat_b)
            return carry

        lax.fori_loop(0, _NCHUNK, chunk_body, 0)

        pltpu.sync_copy(ob, out_hbm.at[pl.ds(2 * l, 2), pl.ds(base, _PPW)])
        return carry0

    lax.fori_loop(0, _LEVELS, level_body, 0)


@jax.jit
def _encode(xt, tab, resv):
    mesh = plsc.VectorSubcoreMesh(core_axis_name="c", subcore_axis_name="s")
    return pl.kernel(
        _body,
        out_type=jax.ShapeDtypeStruct((_LEVELS * 2, _N), jnp.float32),
        mesh=mesh,
        scratch_types=[
            pltpu.VMEM((3, _PPW), jnp.float32),
            pltpu.VMEM((3, _C), jnp.float32),
            pltpu.VMEM((8 * _C,), jnp.int32),
            pltpu.VMEM((8 * _C,), jnp.int32),
            pltpu.VMEM((_G, 128), jnp.float32),
            pltpu.VMEM((_G, 128), jnp.float32),
            pltpu.VMEM((2, _PPW), jnp.float32),
            pltpu.VMEM((16,), jnp.float32),
            pltpu.SemaphoreType.DMA,
            pltpu.SemaphoreType.DMA,
        ],
        compiler_params=pltpu.CompilerParams(needs_layout_passes=False),
    )(xt, tab, resv)


def kernel(x, hash_tables):
    tab = hash_tables.reshape(_LEVELS * _RPL, 128)
    out = _encode(x.T, tab, jnp.asarray(_res_values()))
    return out.T

# --- scband reference (transcript-rebuilt; emitter-appended) ---
"""Pipeline reference for scband-multiresolution-hash-encoding-44143673868849 (READ-ONLY COPY).

The authoritative reference and input builder live on the scoring server;
editing this copy changes nothing except your own understanding.
"""

import jax, jax.numpy as jnp
import numpy as np

LEVELS = 16
TABLE_SIZE = 524288
FEATURE_DIM = 2
INPUT_DIM = 3
BASE_RES = 16.0
MAX_RES = 512.0
N_POINTS = 262144

_PRIMES = np.array([1, 2654435761, 805459861, 3674653429, 2097192037, 1434869437, 2165219737], dtype=np.uint32)[:INPUT_DIM]


def _resolutions():
    b = np.exp((np.log(MAX_RES) - np.log(BASE_RES)) / (LEVELS - 1))
    return np.floor(BASE_RES * (b ** np.arange(LEVELS))).astype(np.float32)


def _corner_offsets():
    grids = np.meshgrid(*([np.arange(2)] * INPUT_DIM), indexing='ij')
    return np.stack(grids, axis=-1).reshape(-1, INPUT_DIM).astype(np.uint32)  # [2^D, D]


def setup_inputs(seed: int = 0) -> dict:
    key = jax.random.key(seed)
    k1, k2 = jax.random.split(key)
    x = jax.random.uniform(k1, (N_POINTS, INPUT_DIM), dtype=jnp.float32)
    hash_tables = jax.random.normal(k2, (LEVELS, TABLE_SIZE, FEATURE_DIM), dtype=jnp.float32) * 1e-4
    return {"x": x, "hash_tables": hash_tables}


def reference(x, hash_tables):
    # Multiresolution hash encoding (Instant-NGP). For each level:
    # scale coords, take 2^D grid-cell corners, spatial-hash each corner
    # (XOR of coord*prime, mod table size), gather features, d-linear interp.
    res = _resolutions()
    primes = jnp.asarray(_PRIMES)  # uint32
    offsets = jnp.asarray(_corner_offsets())  # [C, D] uint32
    offsets_f = offsets.astype(x.dtype)
    outs = []
    for l in range(LEVELS):
        scaled = x * res[l]                       # [N, D]
        floor = jnp.floor(scaled)
        frac = scaled - floor                     # [N, D]
        corners = floor.astype(jnp.uint32)[:, None, :] + offsets[None, :, :]  # [N, C, D]
        h = jnp.zeros(corners.shape[:2], dtype=jnp.uint32)
        for i in range(INPUT_DIM):
            h = jnp.bitwise_xor(h, corners[:, :, i] * primes[i])
        idx = (h % jnp.uint32(TABLE_SIZE)).astype(jnp.int32)  # [N, C]
        feats = jnp.take(hash_tables[l], idx, axis=0)          # [N, C, F] gather
        w = jnp.ones(corners.shape[:2], dtype=x.dtype)         # [N, C]
        for i in range(INPUT_DIM):
            fi = frac[:, i:i + 1]
            oi = offsets_f[None, :, i]
            w = w * (fi * oi + (1.0 - fi) * (1.0 - oi))
        outs.append(jnp.sum(feats * w[..., None], axis=1))    # [N, F]
    return jnp.concatenate(outs, axis=-1)                      # [N, LEVELS*F]

if __name__ == "__main__":
    import jax
    _d = setup_inputs()
    print(jax.jit(kernel)(*tuple(_d.values())))

</pallas_src>

<mosaic_0001>
#map = affine_map<(d0, d1) -> (0, 0)>
#map1 = affine_map<(d0, d1) -> (0)>
module attributes {stable_mosaic.version = 14 : i64} {
  func.func @_body(%arg0: i32, %arg1: i32, %arg2: memref<3x262144xf32, #tpu.memory_space<hbm>>, %arg3: memref<131072x128xf32, #tpu.memory_space<hbm>>, %arg4: memref<16xf32, #tpu.memory_space<hbm>>, %arg5: memref<32x262144xf32, #tpu.memory_space<hbm>>, %arg6: memref<3x8192xf32, #tpu.memory_space<vmem>>, %arg7: memref<3x512xf32, #tpu.memory_space<vmem>>, %arg8: memref<4096xi32, #tpu.memory_space<vmem>>, %arg9: memref<4096xi32, #tpu.memory_space<vmem>>, %arg10: memref<256x128xf32, #tpu.memory_space<vmem>>, %arg11: memref<256x128xf32, #tpu.memory_space<vmem>>, %arg12: memref<2x8192xf32, #tpu.memory_space<vmem>>, %arg13: memref<16xf32, #tpu.memory_space<vmem>>, %arg14: memref<!tpu.dma_semaphore, #tpu.memory_space<semaphore_mem>>, %arg15: memref<!tpu.dma_semaphore, #tpu.memory_space<semaphore_mem>>) attributes {dimension_semantics = [#tpu.dimension_semantics<core_parallel>, #tpu.dimension_semantics<subcore_parallel>], iteration_bounds = array<i64: 2, 16>, scalar_prefetch = 0 : i64, scratch_operands = 10 : i64, tpu.core_type = #tpu.core_type<sc_vector_subcore>, window_params = [{transform_indices = #map}, {transform_indices = #map}, {transform_indices = #map1}, {transform_indices = #map}]} {
    %mul3A = arith.constant 16 : i32
    %mul3A_0 = arith.muli %arg0, %mul3A : i32
    %add3A = arith.addi %mul3A_0, %arg1 : i32
    %mul3A_1 = arith.constant 8192 : i32
    %mul3A_2 = arith.muli %add3A, %mul3A_1 : i32
    %iota3A = tpu.iota {dimensions = array<i32: 0>} : vector<16xi32>
    "tpu.region"() ({
      %run_scoped3A = tpu.sem_alloc : memref<!tpu.dma_semaphore, #tpu.memory_space<semaphore_mem>>
      %dma_start3A = arith.constant 0 : i32
      %dma_start3A_9 = tpu.memref_slice %arg2[%dma_start3A, %mul3A_2] : memref<3x262144xf32, #tpu.memory_space<hbm>> -> memref<3x8192xf32, #tpu.memory_space<hbm>>
      %dma_start3A_10 = arith.constant 0 : i32
      %dma_start3A_11 = tpu.memref_slice %arg2[%dma_start3A_10, %mul3A_2] : memref<3x262144xf32, #tpu.memory_space<hbm>> -> memref<3x8192xf32, #tpu.memory_space<hbm>>
      tpu.enqueue_dma source(%dma_start3A_11 : memref<3x8192xf32, #tpu.memory_space<hbm>>) target(%arg6 : memref<3x8192xf32, #tpu.memory_space<vmem>>) target_semaphore(%run_scoped3A : memref<!tpu.dma_semaphore, #tpu.memory_space<semaphore_mem>>)
      %dma_wait3A = arith.constant 0 : i32
      %dma_wait3A_12 = tpu.memref_slice %arg2[%dma_wait3A, %mul3A_2] : memref<3x262144xf32, #tpu.memory_space<hbm>> -> memref<3x8192xf32, #tpu.memory_space<hbm>>
      %dma_wait3A_13 = arith.constant 0 : i32
      %dma_wait3A_14 = tpu.memref_slice %arg2[%dma_wait3A_13, %mul3A_2] : memref<3x262144xf32, #tpu.memory_space<hbm>> -> memref<3x8192xf32, #tpu.memory_space<hbm>>
      tpu.wait_dma2 semaphore(%run_scoped3A : memref<!tpu.dma_semaphore, #tpu.memory_space<semaphore_mem>>) src(%dma_wait3A_14 : memref<3x8192xf32, #tpu.memory_space<hbm>>) dst(%arg6 : memref<3x8192xf32, #tpu.memory_space<vmem>>)
      tpu.yield
    }) : () -> ()
    "tpu.region"() ({
      %run_scoped3A = tpu.sem_alloc : memref<!tpu.dma_semaphore, #tpu.memory_space<semaphore_mem>>
      tpu.enqueue_dma source(%arg4 : memref<16xf32, #tpu.memory_space<hbm>>) target(%arg13 : memref<16xf32, #tpu.memory_space<vmem>>) target_semaphore(%run_scoped3A : memref<!tpu.dma_semaphore, #tpu.memory_space<semaphore_mem>>)
      tpu.wait_dma2 semaphore(%run_scoped3A : memref<!tpu.dma_semaphore, #tpu.memory_space<semaphore_mem>>) src(%arg4 : memref<16xf32, #tpu.memory_space<hbm>>) dst(%arg13 : memref<16xf32, #tpu.memory_space<vmem>>)
      tpu.yield
    }) : () -> ()
    %get3A = arith.constant 0 : index
    %get3A_3 = tpu.vector_load %arg13[%get3A] {strides = array<i32>} : memref<16xf32, #tpu.memory_space<vmem>>, vector<16xf32>,
    %scan3A = arith.constant 0 : i32
    %scan3A_4 = arith.constant 0 : i32
    %scan3A_5 = arith.constant 16 : i32
    %scan3A_6 = arith.addi %scan3A_4, %scan3A_5 : i32
    %scan3A_7 = arith.constant 1 : i32
    scf.for %scan3A_9 = %scan3A_4 to %scan3A_6 step %scan3A_7  : i32 {
      %eq3A = vector.broadcast %scan3A_9 : i32 to vector<16xi32>
      %eq3A_10 = arith.cmpi eq, %iota3A, %eq3A : vector<16xi32>
      %jit3A = arith.constant 0.000000e+00 : f32
      %broadcast_in_dim3A = vector.broadcast %jit3A : f32 to vector<16xf32>
      %select_n3A = arith.select %eq3A_10, %get3A_3, %broadcast_in_dim3A : vector<16xi1>, vector<16xf32>
      %reduce_sum3A = arith.constant true
      %reduce_sum3A_11 = vector.broadcast %reduce_sum3A : i1 to vector<16xi1>
      %reduce_sum3A_12 = tpu.scan <sum>, %select_n3A masked %reduce_sum3A_11 : vector<16xf32>, vector<16xi1> -> vector<16xf32>
      %reduce_sum3A_13 = vector.extract %reduce_sum3A_12[15] : f32 from vector<16xf32>
      %mul3A_14 = arith.constant 8192 : i32
      %mul3A_15 = arith.muli %scan3A_9, %mul3A_14 : i32
      %scan3A_16 = arith.constant 0 : i32
      %scan3A_17 = arith.constant 0 : i32
      %scan3A_18 = arith.constant 16 : i32
      %scan3A_19 = arith.addi %scan3A_17, %scan3A_18 : i32
      %scan3A_20 = arith.constant 1 : i32
      scf.for %scan3A_24 = %scan3A_17 to %scan3A_19 step %scan3A_20  : i32 {
        %mul3A_25 = arith.constant 512 : i32
        %mul3A_26 = arith.muli %scan3A_24, %mul3A_25 : i32
        %scan3A_27 = arith.constant 0 : i32
        %scan3A_28 = arith.constant 0 : i32
        %scan3A_29 = arith.constant 32 : i32
        %scan3A_30 = arith.addi %scan3A_28, %scan3A_29 : i32
        %scan3A_31 = arith.constant 1 : i32
        scf.for %scan3A_69 = %scan3A_28 to %scan3A_30 step %scan3A_31  : i32 {
          %mul3A_70 = arith.constant 16 : i32
          %mul3A_71 = arith.muli %scan3A_69, %mul3A_70 : i32
          %add3A_72 = arith.addi %mul3A_26, %mul3A_71 : i32
          %get3A_73 = arith.constant 0 : i32
          %get3A_74 = arith.index_cast %get3A_73 : i32 to index
          %get3A_75 = arith.index_cast %add3A_72 : i32 to index
          %get3A_76 = tpu.vector_load %arg6[%get3A_74, %get3A_75] {strides = array<i32>} : memref<3x8192xf32, #tpu.memory_space<vmem>>, vector<16xf32>,
          %mul3A_77 = vector.broadcast %reduce_sum3A_13 : f32 to vector<16xf32>
          %mul3A_78 = arith.mulf %get3A_76, %mul3A_77 : vector<16xf32>
          %get3A_79 = arith.constant 1 : i32
          %get3A_80 = arith.index_cast %get3A_79 : i32 to index
          %get3A_81 = arith.index_cast %add3A_72 : i32 to index
          %get3A_82 = tpu.vector_load %arg6[%get3A_80, %get3A_81] {strides = array<i32>} : memref<3x8192xf32, #tpu.memory_space<vmem>>, vector<16xf32>,
          %mul3A_83 = vector.broadcast %reduce_sum3A_13 : f32 to vector<16xf32>
          %mul3A_84 = arith.mulf %get3A_82, %mul3A_83 : vector<16xf32>
          %get3A_85 = arith.constant 2 : i32
          %get3A_86 = arith.index_cast %get3A_85 : i32 to index
          %get3A_87 = arith.index_cast %add3A_72 : i32 to index
          %get3A_88 = tpu.vector_load %arg6[%get3A_86, %get3A_87] {strides = array<i32>} : memref<3x8192xf32, #tpu.memory_space<vmem>>, vector<16xf32>,
          %mul3A_89 = vector.broadcast %reduce_sum3A_13 : f32 to vector<16xf32>
          %mul3A_90 = arith.mulf %get3A_88, %mul3A_89 : vector<16xf32>
          %convert_element_type3A = arith.fptosi %mul3A_78 : vector<16xf32> to vector<16xi32>
          %convert_element_type3A_91 = arith.fptosi %mul3A_84 : vector<16xf32> to vector<16xi32>
          %convert_element_type3A_92 = arith.fptosi %mul3A_90 : vector<16xf32> to vector<16xi32>
          %mul3A_93 = arith.constant 16 : i32
          %mul3A_94 = arith.muli %scan3A_69, %mul3A_93 : i32
          %convert_element_type3A_95 = arith.sitofp %convert_element_type3A : vector<16xi32> to vector<16xf32>
          %sub3A = arith.subf %mul3A_78, %convert_element_type3A_95 : vector<16xf32>
          %swap3A = arith.constant 0 : i32
          %swap3A_96 = arith.index_cast %swap3A : i32 to index
          %swap3A_97 = arith.index_cast %mul3A_94 : i32 to index
          %swap3A_98 = tpu.vector_load %arg7[%swap3A_96, %swap3A_97] {strides = array<i32>} : memref<3x512xf32, #tpu.memory_space<vmem>>, vector<16xf32>,
          tpu.vector_store %arg7[%swap3A_96, %swap3A_97], %sub3A {strides = array<i32>} : memref<3x512xf32, #tpu.memory_space<vmem>>, vector<16xf32>,
          %convert_element_type3A_99 = arith.sitofp %convert_element_type3A_91 : vector<16xi32> to vector<16xf32>
          %sub3A_100 = arith.subf %mul3A_84, %convert_element_type3A_99 : vector<16xf32>
          %swap3A_101 = arith.constant 1 : i32
          %swap3A_102 = arith.index_cast %swap3A_101 : i32 to index
          %swap3A_103 = arith.index_cast %mul3A_94 : i32 to index
          %swap3A_104 = tpu.vector_load %arg7[%swap3A_102, %swap3A_103] {strides = array<i32>} : memref<3x512xf32, #tpu.memory_space<vmem>>, vector<16xf32>,
          tpu.vector_store %arg7[%swap3A_102, %swap3A_103], %sub3A_100 {strides = array<i32>} : memref<3x512xf32, #tpu.memory_space<vmem>>, vector<16xf32>,
          %convert_element_type3A_105 = arith.sitofp %convert_element_type3A_92 : vector<16xi32> to vector<16xf32>
          %sub3A_106 = arith.subf %mul3A_90, %convert_element_type3A_105 : vector<16xf32>
          %swap3A_107 = arith.constant 2 : i32
          %swap3A_108 = arith.index_cast %swap3A_107 : i32 to index
          %swap3A_109 = arith.index_cast %mul3A_94 : i32 to index
          %swap3A_110 = tpu.vector_load %arg7[%swap3A_108, %swap3A_109] {strides = array<i32>} : memref<3x512xf32, #tpu.memory_space<vmem>>, vector<16xf32>,
          tpu.vector_store %arg7[%swap3A_108, %swap3A_109], %sub3A_106 {strides = array<i32>} : memref<3x512xf32, #tpu.memory_space<vmem>>, vector<16xf32>,
          %add3A_111 = arith.constant 1 : i32
          %add3A_112 = vector.broadcast %add3A_111 : i32 to vector<16xi32>
          %add3A_113 = arith.addi %convert_element_type3A, %add3A_112 : vector<16xi32>
          %mul3A_114 = arith.constant -1640531535 : i32
          %mul3A_115 = vector.broadcast %mul3A_114 : i32 to vector<16xi32>
          %mul3A_116 = arith.muli %convert_element_type3A_91, %mul3A_115 : vector<16xi32>
          %add3A_117 = arith.constant 1 : i32
          %add3A_118 = vector.broadcast %add3A_117 : i32 to vector<16xi32>
          %add3A_119 = arith.addi %convert_element_type3A_91, %add3A_118 : vector<16xi32>
          %mul3A_120 = arith.constant -1640531535 : i32
          %mul3A_121 = vector.broadcast %mul3A_120 : i32 to vector<16xi32>
          %mul3A_122 = arith.muli %add3A_119, %mul3A_121 : vector<16xi32>
          %mul3A_123 = arith.constant 805459861 : i32
          %mul3A_124 = vector.broadcast %mul3A_123 : i32 to vector<16xi32>
          %mul3A_125 = arith.muli %convert_element_type3A_92, %mul3A_124 : vector<16xi32>
          %add3A_126 = arith.constant 1 : i32
          %add3A_127 = vector.broadcast %add3A_126 : i32 to vector<16xi32>
          %add3A_128 = arith.addi %convert_element_type3A_92, %add3A_127 : vector<16xi32>
          %mul3A_129 = arith.constant 805459861 : i32
          %mul3A_130 = vector.broadcast %mul3A_129 : i32 to vector<16xi32>
          %mul3A_131 = arith.muli %add3A_128, %mul3A_130 : vector<16xi32>
          %jit3A_132 = arith.constant 2 : i32
          %div3A = arith.divsi %scan3A_69, %jit3A_132 : i32
          %sign3A = arith.constant 0 : i32
          %sign3A_133 = arith.cmpi sgt, %scan3A_69, %sign3A : i32
          %sign3A_134 = arith.extui %sign3A_133 : i1 to i32
          %sign3A_135 = arith.constant 0 : i32
          %sign3A_136 = arith.cmpi slt, %scan3A_69, %sign3A_135 : i32
          %sign3A_137 = arith.extui %sign3A_136 : i1 to i32
          %sign3A_138 = arith.subi %sign3A_134, %sign3A_137 : i32
          %sign3A_139 = arith.constant 0 : i32
          %sign3A_140 = arith.cmpi sgt, %jit3A_132, %sign3A_139 : i32
          %sign3A_141 = arith.extui %sign3A_140 : i1 to i32
          %sign3A_142 = arith.constant 0 : i32
          %sign3A_143 = arith.cmpi slt, %jit3A_132, %sign3A_142 : i32
          %sign3A_144 = arith.extui %sign3A_143 : i1 to i32
          %sign3A_145 = arith.subi %sign3A_141, %sign3A_144 : i32
          %ne3A = arith.cmpi ne, %sign3A_138, %sign3A_145 : i32
          %rem3A = arith.remsi %scan3A_69, %jit3A_132 : i32
          %ne3A_146 = arith.constant 0 : i32
          %ne3A_147 = arith.cmpi ne, %rem3A, %ne3A_146 : i32
          %and3A = arith.andi %ne3A, %ne3A_147 : i1
          %sub3A_148 = arith.constant 1 : i32
          %sub3A_149 = arith.subi %div3A, %sub3A_148 : i32
          %select_n3A_150 = arith.select %and3A, %sub3A_149, %div3A : i32
          %mul3A_151 = arith.constant 256 : i32
          %mul3A_152 = arith.muli %select_n3A_150, %mul3A_151 : i32
          %jit3A_153 = arith.constant 2 : i32
          %eq3A_154 = arith.constant 0 : i32
          %eq3A_155 = arith.cmpi eq, %jit3A_153, %eq3A_154 : i32
          %jit3A_156 = arith.constant 1 : i32
          %select_n3A_157 = arith.select %eq3A_155, %jit3A_156, %jit3A_153 : i32
          %rem3A_158 = arith.remsi %scan3A_69, %select_n3A_157 : i32
          %ne3A_159 = arith.constant 0 : i32
          %ne3A_160 = arith.cmpi ne, %rem3A_158, %ne3A_159 : i32
          %lt3A = arith.constant 0 : i32
          %lt3A_161 = arith.cmpi slt, %rem3A_158, %lt3A : i32
          %lt3A_162 = arith.constant 0 : i32
          %lt3A_163 = arith.cmpi slt, %select_n3A_157, %lt3A_162 : i32
          %ne3A_164 = arith.xori %lt3A_161, %lt3A_163 : i1
          %and3A_165 = arith.andi %ne3A_164, %ne3A_160 : i1
          %add3A_166 = arith.addi %rem3A_158, %select_n3A_157 : i32
          %select_n3A_167 = arith.select %and3A_165, %add3A_166, %rem3A_158 : i32
          %mul3A_168 = arith.constant 16 : i32
          %mul3A_169 = arith.muli %select_n3A_167, %mul3A_168 : i32
          %add3A_170 = arith.addi %mul3A_152, %mul3A_169 : i32
          %xor3A = arith.xori %convert_element_type3A, %mul3A_116 : vector<16xi32>
          %xor3A_171 = arith.xori %xor3A, %mul3A_125 : vector<16xi32>
          %and3A_172 = arith.constant 524287 : i32
          %and3A_173 = vector.broadcast %and3A_172 : i32 to vector<16xi32>
          %and3A_174 = arith.andi %xor3A_171, %and3A_173 : vector<16xi32>
          %shift_right_arithmetic3A = arith.constant 6 : i32
          %shift_right_arithmetic3A_175 = vector.broadcast %shift_right_arithmetic3A : i32 to vector<16xi32>
          %shift_right_arithmetic3A_176 = arith.shrsi %and3A_174, %shift_right_arithmetic3A_175 : vector<16xi32>
          %add3A_177 = vector.broadcast %mul3A_15 : i32 to vector<16xi32>
          %add3A_178 = arith.addi %add3A_177, %shift_right_arithmetic3A_176 : vector<16xi32>
          %add3A_179 = arith.constant 0 : i32
          %add3A_180 = arith.addi %add3A_170, %add3A_179 : i32
          %swap3A_181 = arith.index_cast %add3A_180 : i32 to index
          %swap3A_182 = tpu.vector_load %arg8[%swap3A_181] {strides = array<i32>} : memref<4096xi32, #tpu.memory_space<vmem>>, vector<16xi32>,
          tpu.vector_store %arg8[%swap3A_181], %add3A_178 {strides = array<i32>} : memref<4096xi32, #tpu.memory_space<vmem>>, vector<16xi32>,
          %and3A_183 = arith.constant 63 : i32
          %and3A_184 = vector.broadcast %and3A_183 : i32 to vector<16xi32>
          %and3A_185 = arith.andi %and3A_174, %and3A_184 : vector<16xi32>
          %mul3A_186 = arith.constant 2 : i32
          %mul3A_187 = vector.broadcast %mul3A_186 : i32 to vector<16xi32>
          %mul3A_188 = arith.muli %and3A_185, %mul3A_187 : vector<16xi32>
          %add3A_189 = arith.constant 0 : i32
          %add3A_190 = arith.addi %add3A_170, %add3A_189 : i32
          %swap3A_191 = arith.index_cast %add3A_190 : i32 to index
          %swap3A_192 = tpu.vector_load %arg9[%swap3A_191] {strides = array<i32>} : memref<4096xi32, #tpu.memory_space<vmem>>, vector<16xi32>,
          tpu.vector_store %arg9[%swap3A_191], %mul3A_188 {strides = array<i32>} : memref<4096xi32, #tpu.memory_space<vmem>>, vector<16xi32>,
          %xor3A_193 = arith.xori %convert_element_type3A, %mul3A_116 : vector<16xi32>
          %xor3A_194 = arith.xori %xor3A_193, %mul3A_131 : vector<16xi32>
          %and3A_195 = arith.constant 524287 : i32
          %and3A_196 = vector.broadcast %and3A_195 : i32 to vector<16xi32>
          %and3A_197 = arith.andi %xor3A_194, %and3A_196 : vector<16xi32>
          %shift_right_arithmetic3A_198 = arith.constant 6 : i32
          %shift_right_arithmetic3A_199 = vector.broadcast %shift_right_arithmetic3A_198 : i32 to vector<16xi32>
          %shift_right_arithmetic3A_200 = arith.shrsi %and3A_197, %shift_right_arithmetic3A_199 : vector<16xi32>
          %add3A_201 = vector.broadcast %mul3A_15 : i32 to vector<16xi32>
          %add3A_202 = arith.addi %add3A_201, %shift_right_arithmetic3A_200 : vector<16xi32>
          %add3A_203 = arith.constant 32 : i32
          %add3A_204 = arith.addi %add3A_170, %add3A_203 : i32
          %swap3A_205 = arith.index_cast %add3A_204 : i32 to index
          %swap3A_206 = tpu.vector_load %arg8[%swap3A_205] {strides = array<i32>} : memref<4096xi32, #tpu.memory_space<vmem>>, vector<16xi32>,
          tpu.vector_store %arg8[%swap3A_205], %add3A_202 {strides = array<i32>} : memref<4096xi32, #tpu.memory_space<vmem>>, vector<16xi32>,
          %and3A_207 = arith.constant 63 : i32
          %and3A_208 = vector.broadcast %and3A_207 : i32 to vector<16xi32>
          %and3A_209 = arith.andi %and3A_197, %and3A_208 : vector<16xi32>
          %mul3A_210 = arith.constant 2 : i32
          %mul3A_211 = vector.broadcast %mul3A_210 : i32 to vector<16xi32>
          %mul3A_212 = arith.muli %and3A_209, %mul3A_211 : vector<16xi32>
          %add3A_213 = arith.constant 32 : i32
          %add3A_214 = arith.addi %add3A_170, %add3A_213 : i32
          %swap3A_215 = arith.index_cast %add3A_214 : i32 to index
          %swap3A_216 = tpu.vector_load %arg9[%swap3A_215] {strides = array<i32>} : memref<4096xi32, #tpu.memory_space<vmem>>, vector<16xi32>,
          tpu.vector_store %arg9[%swap3A_215], %mul3A_212 {strides = array<i32>} : memref<4096xi32, #tpu.memory_space<vmem>>, vector<16xi32>,
          %xor3A_217 = arith.xori %convert_element_type3A, %mul3A_122 : vector<16xi32>
          %xor3A_218 = arith.xori %xor3A_217, %mul3A_125 : vector<16xi32>
          %and3A_219 = arith.constant 524287 : i32
          %and3A_220 = vector.broadcast %and3A_219 : i32 to vector<16xi32>
          %and3A_221 = arith.andi %xor3A_218, %and3A_220 : vector<16xi32>
          %shift_right_arithmetic3A_222 = arith.constant 6 : i32
          %shift_right_arithmetic3A_223 = vector.broadcast %shift_right_arithmetic3A_222 : i32 to vector<16xi32>
          %shift_right_arithmetic3A_224 = arith.shrsi %and3A_221, %shift_right_arithmetic3A_223 : vector<16xi32>
          %add3A_225 = vector.broadcast %mul3A_15 : i32 to vector<16xi32>
          %add3A_226 = arith.addi %add3A_225, %shift_right_arithmetic3A_224 : vector<16xi32>
          %add3A_227 = arith.constant 64 : i32
          %add3A_228 = arith.addi %add3A_170, %add3A_227 : i32
          %swap3A_229 = arith.index_cast %add3A_228 : i32 to index
          %swap3A_230 = tpu.vector_load %arg8[%swap3A_229] {strides = array<i32>} : memref<4096xi32, #tpu.memory_space<vmem>>, vector<16xi32>,
          tpu.vector_store %arg8[%swap3A_229], %add3A_226 {strides = array<i32>} : memref<4096xi32, #tpu.memory_space<vmem>>, vector<16xi32>,
          %and3A_231 = arith.constant 63 : i32
          %and3A_232 = vector.broadcast %and3A_231 : i32 to vector<16xi32>
          %and3A_233 = arith.andi %and3A_221, %and3A_232 : vector<16xi32>
          %mul3A_234 = arith.constant 2 : i32
          %mul3A_235 = vector.broadcast %mul3A_234 : i32 to vector<16xi32>
          %mul3A_236 = arith.muli %and3A_233, %mul3A_235 : vector<16xi32>
          %add3A_237 = arith.constant 64 : i32
          %add3A_238 = arith.addi %add3A_170, %add3A_237 : i32
          %swap3A_239 = arith.index_cast %add3A_238 : i32 to index
          %swap3A_240 = tpu.vector_load %arg9[%swap3A_239] {strides = array<i32>} : memref<4096xi32, #tpu.memory_space<vmem>>, vector<16xi32>,
          tpu.vector_store %arg9[%swap3A_239], %mul3A_236 {strides = array<i32>} : memref<4096xi32, #tpu.memory_space<vmem>>, vector<16xi32>,
          %xor3A_241 = arith.xori %convert_element_type3A, %mul3A_122 : vector<16xi32>
          %xor3A_242 = arith.xori %xor3A_241, %mul3A_131 : vector<16xi32>
          %and3A_243 = arith.constant 524287 : i32
          %and3A_244 = vector.broadcast %and3A_243 : i32 to vector<16xi32>
          %and3A_245 = arith.andi %xor3A_242, %and3A_244 : vector<16xi32>
          %shift_right_arithmetic3A_246 = arith.constant 6 : i32
          %shift_right_arithmetic3A_247 = vector.broadcast %shift_right_arithmetic3A_246 : i32 to vector<16xi32>
          %shift_right_arithmetic3A_248 = arith.shrsi %and3A_245, %shift_right_arithmetic3A_247 : vector<16xi32>
          %add3A_249 = vector.broadcast %mul3A_15 : i32 to vector<16xi32>
          %add3A_250 = arith.addi %add3A_249, %shift_right_arithmetic3A_248 : vector<16xi32>
          %add3A_251 = arith.constant 96 : i32
          %add3A_252 = arith.addi %add3A_170, %add3A_251 : i32
          %swap3A_253 = arith.index_cast %add3A_252 : i32 to index
          %swap3A_254 = tpu.vector_load %arg8[%swap3A_253] {strides = array<i32>} : memref<4096xi32, #tpu.memory_space<vmem>>, vector<16xi32>,
          tpu.vector_store %arg8[%swap3A_253], %add3A_250 {strides = array<i32>} : memref<4096xi32, #tpu.memory_space<vmem>>, vector<16xi32>,
          %and3A_255 = arith.constant 63 : i32
          %and3A_256 = vector.broadcast %and3A_255 : i32 to vector<16xi32>
          %and3A_257 = arith.andi %and3A_245, %and3A_256 : vector<16xi32>
          %mul3A_258 = arith.constant 2 : i32
          %mul3A_259 = vector.broadcast %mul3A_258 : i32 to vector<16xi32>
          %mul3A_260 = arith.muli %and3A_257, %mul3A_259 : vector<16xi32>
          %add3A_261 = arith.constant 96 : i32
          %add3A_262 = arith.addi %add3A_170, %add3A_261 : i32
          %swap3A_263 = arith.index_cast %add3A_262 : i32 to index
          %swap3A_264 = tpu.vector_load %arg9[%swap3A_263] {strides = array<i32>} : memref<4096xi32, #tpu.memory_space<vmem>>, vector<16xi32>,
          tpu.vector_store %arg9[%swap3A_263], %mul3A_260 {strides = array<i32>} : memref<4096xi32, #tpu.memory_space<vmem>>, vector<16xi32>,
          %xor3A_265 = arith.xori %add3A_113, %mul3A_116 : vector<16xi32>
          %xor3A_266 = arith.xori %xor3A_265, %mul3A_125 : vector<16xi32>
          %and3A_267 = arith.constant 524287 : i32
          %and3A_268 = vector.broadcast %and3A_267 : i32 to vector<16xi32>
          %and3A_269 = arith.andi %xor3A_266, %and3A_268 : vector<16xi32>
          %shift_right_arithmetic3A_270 = arith.constant 6 : i32
          %shift_right_arithmetic3A_271 = vector.broadcast %shift_right_arithmetic3A_270 : i32 to vector<16xi32>
          %shift_right_arithmetic3A_272 = arith.shrsi %and3A_269, %shift_right_arithmetic3A_271 : vector<16xi32>
          %add3A_273 = vector.broadcast %mul3A_15 : i32 to vector<16xi32>
          %add3A_274 = arith.addi %add3A_273, %shift_right_arithmetic3A_272 : vector<16xi32>
          %add3A_275 = arith.constant 128 : i32
          %add3A_276 = arith.addi %add3A_170, %add3A_275 : i32
          %swap3A_277 = arith.index_cast %add3A_276 : i32 to index
          %swap3A_278 = tpu.vector_load %arg8[%swap3A_277] {strides = array<i32>} : memref<4096xi32, #tpu.memory_space<vmem>>, vector<16xi32>,
          tpu.vector_store %arg8[%swap3A_277], %add3A_274 {strides = array<i32>} : memref<4096xi32, #tpu.memory_space<vmem>>, vector<16xi32>,
          %and3A_279 = arith.constant 63 : i32
          %and3A_280 = vector.broadcast %and3A_279 : i32 to vector<16xi32>
          %and3A_281 = arith.andi %and3A_269, %and3A_280 : vector<16xi32>
          %mul3A_282 = arith.constant 2 : i32
          %mul3A_283 = vector.broadcast %mul3A_282 : i32 to vector<16xi32>
          %mul3A_284 = arith.muli %and3A_281, %mul3A_283 : vector<16xi32>
          %add3A_285 = arith.constant 128 : i32
          %add3A_286 = arith.addi %add3A_170, %add3A_285 : i32
          %swap3A_287 = arith.index_cast %add3A_286 : i32 to index
          %swap3A_288 = tpu.vector_load %arg9[%swap3A_287] {strides = array<i32>} : memref<4096xi32, #tpu.memory_space<vmem>>, vector<16xi32>,
          tpu.vector_store %arg9[%swap3A_287], %mul3A_284 {strides = array<i32>} : memref<4096xi32, #tpu.memory_space<vmem>>, vector<16xi32>,
          %xor3A_289 = arith.xori %add3A_113, %mul3A_116 : vector<16xi32>
          %xor3A_290 = arith.xori %xor3A_289, %mul3A_131 : vector<16xi32>
          %and3A_291 = arith.constant 524287 : i32
          %and3A_292 = vector.broadcast %and3A_291 : i32 to vector<16xi32>
          %and3A_293 = arith.andi %xor3A_290, %and3A_292 : vector<16xi32>
          %shift_right_arithmetic3A_294 = arith.constant 6 : i32
          %shift_right_arithmetic3A_295 = vector.broadcast %shift_right_arithmetic3A_294 : i32 to vector<16xi32>
          %shift_right_arithmetic3A_296 = arith.shrsi %and3A_293, %shift_right_arithmetic3A_295 : vector<16xi32>
          %add3A_297 = vector.broadcast %mul3A_15 : i32 to vector<16xi32>
          %add3A_298 = arith.addi %add3A_297, %shift_right_arithmetic3A_296 : vector<16xi32>
          %add3A_299 = arith.constant 160 : i32
          %add3A_300 = arith.addi %add3A_170, %add3A_299 : i32
          %swap3A_301 = arith.index_cast %add3A_300 : i32 to index
          %swap3A_302 = tpu.vector_load %arg8[%swap3A_301] {strides = array<i32>} : memref<4096xi32, #tpu.memory_space<vmem>>, vector<16xi32>,
          tpu.vector_store %arg8[%swap3A_301], %add3A_298 {strides = array<i32>} : memref<4096xi32, #tpu.memory_space<vmem>>, vector<16xi32>,
          %and3A_303 = arith.constant 63 : i32
          %and3A_304 = vector.broadcast %and3A_303 : i32 to vector<16xi32>
          %and3A_305 = arith.andi %and3A_293, %and3A_304 : vector<16xi32>
          %mul3A_306 = arith.constant 2 : i32
          %mul3A_307 = vector.broadcast %mul3A_306 : i32 to vector<16xi32>
          %mul3A_308 = arith.muli %and3A_305, %mul3A_307 : vector<16xi32>
          %add3A_309 = arith.constant 160 : i32
          %add3A_310 = arith.addi %add3A_170, %add3A_309 : i32
          %swap3A_311 = arith.index_cast %add3A_310 : i32 to index
          %swap3A_312 = tpu.vector_load %arg9[%swap3A_311] {strides = array<i32>} : memref<4096xi32, #tpu.memory_space<vmem>>, vector<16xi32>,
          tpu.vector_store %arg9[%swap3A_311], %mul3A_308 {strides = array<i32>} : memref<4096xi32, #tpu.memory_space<vmem>>, vector<16xi32>,
          %xor3A_313 = arith.xori %add3A_113, %mul3A_122 : vector<16xi32>
          %xor3A_314 = arith.xori %xor3A_313, %mul3A_125 : vector<16xi32>
          %and3A_315 = arith.constant 524287 : i32
          %and3A_316 = vector.broadcast %and3A_315 : i32 to vector<16xi32>
          %and3A_317 = arith.andi %xor3A_314, %and3A_316 : vector<16xi32>
          %shift_right_arithmetic3A_318 = arith.constant 6 : i32
          %shift_right_arithmetic3A_319 = vector.broadcast %shift_right_arithmetic3A_318 : i32 to vector<16xi32>
          %shift_right_arithmetic3A_320 = arith.shrsi %and3A_317, %shift_right_arithmetic3A_319 : vector<16xi32>
          %add3A_321 = vector.broadcast %mul3A_15 : i32 to vector<16xi32>
          %add3A_322 = arith.addi %add3A_321, %shift_right_arithmetic3A_320 : vector<16xi32>
          %add3A_323 = arith.constant 192 : i32
          %add3A_324 = arith.addi %add3A_170, %add3A_323 : i32
          %swap3A_325 = arith.index_cast %add3A_324 : i32 to index
          %swap3A_326 = tpu.vector_load %arg8[%swap3A_325] {strides = array<i32>} : memref<4096xi32, #tpu.memory_space<vmem>>, vector<16xi32>,
          tpu.vector_store %arg8[%swap3A_325], %add3A_322 {strides = array<i32>} : memref<4096xi32, #tpu.memory_space<vmem>>, vector<16xi32>,
          %and3A_327 = arith.constant 63 : i32
          %and3A_328 = vector.broadcast %and3A_327 : i32 to vector<16xi32>
          %and3A_329 = arith.andi %and3A_317, %and3A_328 : vector<16xi32>
          %mul3A_330 = arith.constant 2 : i32
          %mul3A_331 = vector.broadcast %mul3A_330 : i32 to vector<16xi32>
          %mul3A_332 = arith.muli %and3A_329, %mul3A_331 : vector<16xi32>
          %add3A_333 = arith.constant 192 : i32
          %add3A_334 = arith.addi %add3A_170, %add3A_333 : i32
          %swap3A_335 = arith.index_cast %add3A_334 : i32 to index
          %swap3A_336 = tpu.vector_load %arg9[%swap3A_335] {strides = array<i32>} : memref<4096xi32, #tpu.memory_space<vmem>>, vector<16xi32>,
          tpu.vector_store %arg9[%swap3A_335], %mul3A_332 {strides = array<i32>} : memref<4096xi32, #tpu.memory_space<vmem>>, vector<16xi32>,
          %xor3A_337 = arith.xori %add3A_113, %mul3A_122 : vector<16xi32>
          %xor3A_338 = arith.xori %xor3A_337, %mul3A_131 : vector<16xi32>
          %and3A_339 = arith.constant 524287 : i32
          %and3A_340 = vector.broadcast %and3A_339 : i32 to vector<16xi32>
          %and3A_341 = arith.andi %xor3A_338, %and3A_340 : vector<16xi32>
          %shift_right_arithmetic3A_342 = arith.constant 6 : i32
          %shift_right_arithmetic3A_343 = vector.broadcast %shift_right_arithmetic3A_342 : i32 to vector<16xi32>
          %shift_right_arithmetic3A_344 = arith.shrsi %and3A_341, %shift_right_arithmetic3A_343 : vector<16xi32>
          %add3A_345 = vector.broadcast %mul3A_15 : i32 to vector<16xi32>
          %add3A_346 = arith.addi %add3A_345, %shift_right_arithmetic3A_344 : vector<16xi32>
          %add3A_347 = arith.constant 224 : i32
          %add3A_348 = arith.addi %add3A_170, %add3A_347 : i32
          %swap3A_349 = arith.index_cast %add3A_348 : i32 to index
          %swap3A_350 = tpu.vector_load %arg8[%swap3A_349] {strides = array<i32>} : memref<4096xi32, #tpu.memory_space<vmem>>, vector<16xi32>,
          tpu.vector_store %arg8[%swap3A_349], %add3A_346 {strides = array<i32>} : memref<4096xi32, #tpu.memory_space<vmem>>, vector<16xi32>,
          %and3A_351 = arith.constant 63 : i32
          %and3A_352 = vector.broadcast %and3A_351 : i32 to vector<16xi32>
          %and3A_353 = arith.andi %and3A_341, %and3A_352 : vector<16xi32>
          %mul3A_354 = arith.constant 2 : i32
          %mul3A_355 = vector.broadcast %mul3A_354 : i32 to vector<16xi32>
          %mul3A_356 = arith.muli %and3A_353, %mul3A_355 : vector<16xi32>
          %add3A_357 = arith.constant 224 : i32
          %add3A_358 = arith.addi %add3A_170, %add3A_357 : i32
          %swap3A_359 = arith.index_cast %add3A_358 : i32 to index
          %swap3A_360 = tpu.vector_load %arg9[%swap3A_359] {strides = array<i32>} : memref<4096xi32, #tpu.memory_space<vmem>>, vector<16xi32>,
          tpu.vector_store %arg9[%swap3A_359], %mul3A_356 {strides = array<i32>} : memref<4096xi32, #tpu.memory_space<vmem>>, vector<16xi32>,
        }
        %scan3A_32 = arith.constant 32 : i32
        %dma_start3A = arith.constant 0 : i32
        %dma_start3A_33 = tpu.memref_slice %arg8[%dma_start3A] : memref<4096xi32, #tpu.memory_space<vmem>> -> memref<256xi32, #tpu.memory_space<vmem>>
        %dma_start3A_34 = arith.constant 0 : i32
        %dma_start3A_35 = arith.constant 0 : i32
        %dma_start3A_36 = tpu.memref_slice %arg3[%dma_start3A_34, %dma_start3A_35] : memref<131072x128xf32, #tpu.memory_space<hbm>> -> memref<131072x128xf32, #tpu.memory_space<hbm>>
        tpu.enqueue_indirect_dma source(%dma_start3A_36 : memref<131072x128xf32, #tpu.memory_space<hbm>>) target(%arg10 : memref<256x128xf32, #tpu.memory_space<vmem>>) offsets(%dma_start3A_33 : memref<256xi32, #tpu.memory_space<vmem>>) semaphore(%arg14 : memref<!tpu.dma_semaphore, #tpu.memory_space<semaphore_mem>>)
        %dma_start3A_37 = arith.constant 256 : i32
        %dma_start3A_38 = tpu.memref_slice %arg8[%dma_start3A_37] : memref<4096xi32, #tpu.memory_space<vmem>> -> memref<256xi32, #tpu.memory_space<vmem>>
        %dma_start3A_39 = arith.constant 0 : i32
        %dma_start3A_40 = arith.constant 0 : i32
        %dma_start3A_41 = tpu.memref_slice %arg3[%dma_start3A_39, %dma_start3A_40] : memref<131072x128xf32, #tpu.memory_space<hbm>> -> memref<131072x128xf32, #tpu.memory_space<hbm>>
        tpu.enqueue_indirect_dma source(%dma_start3A_41 : memref<131072x128xf32, #tpu.memory_space<hbm>>) target(%arg11 : memref<256x128xf32, #tpu.memory_space<vmem>>) offsets(%dma_start3A_38 : memref<256xi32, #tpu.memory_space<vmem>>) semaphore(%arg15 : memref<!tpu.dma_semaphore, #tpu.memory_space<semaphore_mem>>)
        %scan3A_42 = arith.constant 0 : i32
        %scan3A_43 = arith.constant 0 : i32
        %scan3A_44 = arith.constant 7 : i32
        %scan3A_45 = arith.addi %scan3A_43, %scan3A_44 : i32
        %scan3A_46 = arith.constant 1 : i32
        scf.for %scan3A_69 = %scan3A_43 to %scan3A_45 step %scan3A_46  : i32 {
          %mul3A_70 = arith.constant 2 : i32
          %mul3A_71 = arith.muli %scan3A_69, %mul3A_70 : i32
          %dma_wait3A_72 = arith.constant 0 : i32
          %dma_wait3A_73 = tpu.memref_slice %arg8[%dma_wait3A_72] : memref<4096xi32, #tpu.memory_space<vmem>> -> memref<256xi32, #tpu.memory_space<vmem>>
          %dma_wait3A_74 = arith.constant 0 : i32
          %dma_wait3A_75 = arith.constant 0 : i32
          %dma_wait3A_76 = tpu.memref_slice %arg3[%dma_wait3A_74, %dma_wait3A_75] : memref<131072x128xf32, #tpu.memory_space<hbm>> -> memref<131072x128xf32, #tpu.memory_space<hbm>>
          tpu.wait_indirect_dma semaphore(%arg14 : memref<!tpu.dma_semaphore, #tpu.memory_space<semaphore_mem>>) src(%dma_wait3A_76 : memref<131072x128xf32, #tpu.memory_space<hbm>>) dst(%arg10 : memref<256x128xf32, #tpu.memory_space<vmem>>)
          %scan3A_77 = arith.constant 0 : i32
          %scan3A_78 = arith.constant 0 : i32
          %scan3A_79 = arith.constant 2 : i32
          %scan3A_80 = arith.addi %scan3A_78, %scan3A_79 : i32
          %scan3A_81 = arith.constant 1 : i32
          scf.for %scan3A_112 = %scan3A_78 to %scan3A_80 step %scan3A_81  : i32 {
            %mul3A_113 = arith.constant 32 : i32
            %mul3A_114 = arith.muli %mul3A_71, %mul3A_113 : i32
            %mul3A_115 = arith.constant 16 : i32
            %mul3A_116 = arith.muli %scan3A_112, %mul3A_115 : i32
            %add3A_117 = arith.addi %mul3A_114, %mul3A_116 : i32
            %get3A_118 = arith.constant 0 : i32
            %get3A_119 = arith.index_cast %get3A_118 : i32 to index
            %get3A_120 = arith.index_cast %add3A_117 : i32 to index
            %get3A_121 = tpu.vector_load %arg7[%get3A_119, %get3A_120] {strides = array<i32>} : memref<3x512xf32, #tpu.memory_space<vmem>>, vector<16xf32>,
            %get3A_122 = arith.constant 1 : i32
            %get3A_123 = arith.index_cast %get3A_122 : i32 to index
            %get3A_124 = arith.index_cast %add3A_117 : i32 to index
            %get3A_125 = tpu.vector_load %arg7[%get3A_123, %get3A_124] {strides = array<i32>} : memref<3x512xf32, #tpu.memory_space<vmem>>, vector<16xf32>,
            %get3A_126 = arith.constant 2 : i32
            %get3A_127 = arith.index_cast %get3A_126 : i32 to index
            %get3A_128 = arith.index_cast %add3A_117 : i32 to index
            %get3A_129 = tpu.vector_load %arg7[%get3A_127, %get3A_128] {strides = array<i32>} : memref<3x512xf32, #tpu.memory_space<vmem>>, vector<16xf32>,
            %sub3A = arith.constant 1.000000e+00 : f32
            %sub3A_130 = vector.broadcast %sub3A : f32 to vector<16xf32>
            %sub3A_131 = arith.subf %sub3A_130, %get3A_121 : vector<16xf32>
            %sub3A_132 = arith.constant 1.000000e+00 : f32
            %sub3A_133 = vector.broadcast %sub3A_132 : f32 to vector<16xf32>
            %sub3A_134 = arith.subf %sub3A_133, %get3A_125 : vector<16xf32>
            %sub3A_135 = arith.constant 1.000000e+00 : f32
            %sub3A_136 = vector.broadcast %sub3A_135 : f32 to vector<16xf32>
            %sub3A_137 = arith.subf %sub3A_136, %get3A_129 : vector<16xf32>
            %broadcast_in_dim3A_138 = arith.constant 0.000000e+00 : f32
            %broadcast_in_dim3A_139 = vector.broadcast %broadcast_in_dim3A_138 : f32 to vector<16xf32>
            %broadcast_in_dim3A_140 = arith.constant 0.000000e+00 : f32
            %broadcast_in_dim3A_141 = vector.broadcast %broadcast_in_dim3A_140 : f32 to vector<16xf32>
            %mul3A_142 = arith.constant 16 : i32
            %mul3A_143 = arith.muli %scan3A_112, %mul3A_142 : i32
            %add3A_144 = vector.broadcast %mul3A_143 : i32 to vector<16xi32>
            %add3A_145 = arith.addi %add3A_144, %iota3A : vector<16xi32>
            %mul3A_146 = arith.constant 16 : i32
            %mul3A_147 = arith.muli %scan3A_112, %mul3A_146 : i32
            %mul3A_148 = arith.mulf %sub3A_131, %sub3A_134 : vector<16xf32>
            %mul3A_149 = arith.mulf %mul3A_148, %sub3A_137 : vector<16xf32>
            %mul3A_150 = arith.constant 256 : i32
            %mul3A_151 = arith.muli %mul3A_71, %mul3A_150 : i32
            %add3A_152 = arith.constant 0 : i32
            %add3A_153 = arith.addi %mul3A_151, %add3A_152 : i32
            %add3A_154 = arith.addi %add3A_153, %mul3A_147 : i32
            %get3A_155 = arith.index_cast %add3A_154 : i32 to index
            %get3A_156 = tpu.vector_load %arg9[%get3A_155] {strides = array<i32>} : memref<4096xi32, #tpu.memory_space<vmem>>, vector<16xi32>,
            %add3A_157 = arith.constant 0 : i32
            %add3A_158 = vector.broadcast %add3A_157 : i32 to vector<16xi32>
            %add3A_159 = arith.addi %add3A_145, %add3A_158 : vector<16xi32>
            %gather3A = tpu.vector_load_idx %arg10[%add3A_159, %get3A_156] : memref<256x128xf32, #tpu.memory_space<vmem>>[vector<16xi32>, vector<16xi32>], vector<16xf32>,
            %add3A_160 = arith.constant 1 : i32
            %add3A_161 = vector.broadcast %add3A_160 : i32 to vector<16xi32>
            %add3A_162 = arith.addi %get3A_156, %add3A_161 : vector<16xi32>
            %gather3A_163 = tpu.vector_load_idx %arg10[%add3A_159, %add3A_162] : memref<256x128xf32, #tpu.memory_space<vmem>>[vector<16xi32>, vector<16xi32>], vector<16xf32>,
            %mul3A_164 = arith.mulf %gather3A, %mul3A_149 : vector<16xf32>
            %add3A_165 = arith.addf %broadcast_in_dim3A_139, %mul3A_164 : vector<16xf32>
            %mul3A_166 = arith.mulf %gather3A_163, %mul3A_149 : vector<16xf32>
            %add3A_167 = arith.addf %broadcast_in_dim3A_141, %mul3A_166 : vector<16xf32>
            %mul3A_168 = arith.mulf %sub3A_131, %sub3A_134 : vector<16xf32>
            %mul3A_169 = arith.mulf %mul3A_168, %get3A_129 : vector<16xf32>
            %mul3A_170 = arith.constant 256 : i32
            %mul3A_171 = arith.muli %mul3A_71, %mul3A_170 : i32
            %add3A_172 = arith.constant 32 : i32
            %add3A_173 = arith.addi %mul3A_171, %add3A_172 : i32
            %add3A_174 = arith.addi %add3A_173, %mul3A_147 : i32
            %get3A_175 = arith.index_cast %add3A_174 : i32 to index
            %get3A_176 = tpu.vector_load %arg9[%get3A_175] {strides = array<i32>} : memref<4096xi32, #tpu.memory_space<vmem>>, vector<16xi32>,
            %add3A_177 = arith.constant 32 : i32
            %add3A_178 = vector.broadcast %add3A_177 : i32 to vector<16xi32>
            %add3A_179 = arith.addi %add3A_145, %add3A_178 : vector<16xi32>
            %gather3A_180 = tpu.vector_load_idx %arg10[%add3A_179, %get3A_176] : memref<256x128xf32, #tpu.memory_space<vmem>>[vector<16xi32>, vector<16xi32>], vector<16xf32>,
            %add3A_181 = arith.constant 1 : i32
            %add3A_182 = vector.broadcast %add3A_181 : i32 to vector<16xi32>
            %add3A_183 = arith.addi %get3A_176, %add3A_182 : vector<16xi32>
            %gather3A_184 = tpu.vector_load_idx %arg10[%add3A_179, %add3A_183] : memref<256x128xf32, #tpu.memory_space<vmem>>[vector<16xi32>, vector<16xi32>], vector<16xf32>,
            %mul3A_185 = arith.mulf %gather3A_180, %mul3A_169 : vector<16xf32>
            %add3A_186 = arith.addf %add3A_165, %mul3A_185 : vector<16xf32>
            %mul3A_187 = arith.mulf %gather3A_184, %mul3A_169 : vector<16xf32>
            %add3A_188 = arith.addf %add3A_167, %mul3A_187 : vector<16xf32>
            %mul3A_189 = arith.mulf %sub3A_131, %get3A_125 : vector<16xf32>
            %mul3A_190 = arith.mulf %mul3A_189, %sub3A_137 : vector<16xf32>
            %mul3A_191 = arith.constant 256 : i32
            %mul3A_192 = arith.muli %mul3A_71, %mul3A_191 : i32
            %add3A_193 = arith.constant 64 : i32
            %add3A_194 = arith.addi %mul3A_192, %add3A_193 : i32
            %add3A_195 = arith.addi %add3A_194, %mul3A_147 : i32
            %get3A_196 = arith.index_cast %add3A_195 : i32 to index
            %get3A_197 = tpu.vector_load %arg9[%get3A_196] {strides = array<i32>} : memref<4096xi32, #tpu.memory_space<vmem>>, vector<16xi32>,
            %add3A_198 = arith.constant 64 : i32
            %add3A_199 = vector.broadcast %add3A_198 : i32 to vector<16xi32>
            %add3A_200 = arith.addi %add3A_145, %add3A_199 : vector<16xi32>
            %gather3A_201 = tpu.vector_load_idx %arg10[%add3A_200, %get3A_197] : memref<256x128xf32, #tpu.memory_space<vmem>>[vector<16xi32>, vector<16xi32>], vector<16xf32>,
            %add3A_202 = arith.constant 1 : i32
            %add3A_203 = vector.broadcast %add3A_202 : i32 to vector<16xi32>
            %add3A_204 = arith.addi %get3A_197, %add3A_203 : vector<16xi32>
            %gather3A_205 = tpu.vector_load_idx %arg10[%add3A_200, %add3A_204] : memref<256x128xf32, #tpu.memory_space<vmem>>[vector<16xi32>, vector<16xi32>], vector<16xf32>,
            %mul3A_206 = arith.mulf %gather3A_201, %mul3A_190 : vector<16xf32>
            %add3A_207 = arith.addf %add3A_186, %mul3A_206 : vector<16xf32>
            %mul3A_208 = arith.mulf %gather3A_205, %mul3A_190 : vector<16xf32>
            %add3A_209 = arith.addf %add3A_188, %mul3A_208 : vector<16xf32>
            %mul3A_210 = arith.mulf %sub3A_131, %get3A_125 : vector<16xf32>
            %mul3A_211 = arith.mulf %mul3A_210, %get3A_129 : vector<16xf32>
            %mul3A_212 = arith.constant 256 : i32
            %mul3A_213 = arith.muli %mul3A_71, %mul3A_212 : i32
            %add3A_214 = arith.constant 96 : i32
            %add3A_215 = arith.addi %mul3A_213, %add3A_214 : i32
            %add3A_216 = arith.addi %add3A_215, %mul3A_147 : i32
            %get3A_217 = arith.index_cast %add3A_216 : i32 to index
            %get3A_218 = tpu.vector_load %arg9[%get3A_217] {strides = array<i32>} : memref<4096xi32, #tpu.memory_space<vmem>>, vector<16xi32>,
            %add3A_219 = arith.constant 96 : i32
            %add3A_220 = vector.broadcast %add3A_219 : i32 to vector<16xi32>
            %add3A_221 = arith.addi %add3A_145, %add3A_220 : vector<16xi32>
            %gather3A_222 = tpu.vector_load_idx %arg10[%add3A_221, %get3A_218] : memref<256x128xf32, #tpu.memory_space<vmem>>[vector<16xi32>, vector<16xi32>], vector<16xf32>,
            %add3A_223 = arith.constant 1 : i32
            %add3A_224 = vector.broadcast %add3A_223 : i32 to vector<16xi32>
            %add3A_225 = arith.addi %get3A_218, %add3A_224 : vector<16xi32>
            %gather3A_226 = tpu.vector_load_idx %arg10[%add3A_221, %add3A_225] : memref<256x128xf32, #tpu.memory_space<vmem>>[vector<16xi32>, vector<16xi32>], vector<16xf32>,
            %mul3A_227 = arith.mulf %gather3A_222, %mul3A_211 : vector<16xf32>
            %add3A_228 = arith.addf %add3A_207, %mul3A_227 : vector<16xf32>
            %mul3A_229 = arith.mulf %gather3A_226, %mul3A_211 : vector<16xf32>
            %add3A_230 = arith.addf %add3A_209, %mul3A_229 : vector<16xf32>
            %mul3A_231 = arith.mulf %get3A_121, %sub3A_134 : vector<16xf32>
            %mul3A_232 = arith.mulf %mul3A_231, %sub3A_137 : vector<16xf32>
            %mul3A_233 = arith.constant 256 : i32
            %mul3A_234 = arith.muli %mul3A_71, %mul3A_233 : i32
            %add3A_235 = arith.constant 128 : i32
            %add3A_236 = arith.addi %mul3A_234, %add3A_235 : i32
            %add3A_237 = arith.addi %add3A_236, %mul3A_147 : i32
            %get3A_238 = arith.index_cast %add3A_237 : i32 to index
            %get3A_239 = tpu.vector_load %arg9[%get3A_238] {strides = array<i32>} : memref<4096xi32, #tpu.memory_space<vmem>>, vector<16xi32>,
            %add3A_240 = arith.constant 128 : i32
            %add3A_241 = vector.broadcast %add3A_240 : i32 to vector<16xi32>
            %add3A_242 = arith.addi %add3A_145, %add3A_241 : vector<16xi32>
            %gather3A_243 = tpu.vector_load_idx %arg10[%add3A_242, %get3A_239] : memref<256x128xf32, #tpu.memory_space<vmem>>[vector<16xi32>, vector<16xi32>], vector<16xf32>,
            %add3A_244 = arith.constant 1 : i32
            %add3A_245 = vector.broadcast %add3A_244 : i32 to vector<16xi32>
            %add3A_246 = arith.addi %get3A_239, %add3A_245 : vector<16xi32>
            %gather3A_247 = tpu.vector_load_idx %arg10[%add3A_242, %add3A_246] : memref<256x128xf32, #tpu.memory_space<vmem>>[vector<16xi32>, vector<16xi32>], vector<16xf32>,
            %mul3A_248 = arith.mulf %gather3A_243, %mul3A_232 : vector<16xf32>
            %add3A_249 = arith.addf %add3A_228, %mul3A_248 : vector<16xf32>
            %mul3A_250 = arith.mulf %gather3A_247, %mul3A_232 : vector<16xf32>
            %add3A_251 = arith.addf %add3A_230, %mul3A_250 : vector<16xf32>
            %mul3A_252 = arith.mulf %get3A_121, %sub3A_134 : vector<16xf32>
            %mul3A_253 = arith.mulf %mul3A_252, %get3A_129 : vector<16xf32>
            %mul3A_254 = arith.constant 256 : i32
            %mul3A_255 = arith.muli %mul3A_71, %mul3A_254 : i32
            %add3A_256 = arith.constant 160 : i32
            %add3A_257 = arith.addi %mul3A_255, %add3A_256 : i32
            %add3A_258 = arith.addi %add3A_257, %mul3A_147 : i32
            %get3A_259 = arith.index_cast %add3A_258 : i32 to index
            %get3A_260 = tpu.vector_load %arg9[%get3A_259] {strides = array<i32>} : memref<4096xi32, #tpu.memory_space<vmem>>, vector<16xi32>,
            %add3A_261 = arith.constant 160 : i32
            %add3A_262 = vector.broadcast %add3A_261 : i32 to vector<16xi32>
            %add3A_263 = arith.addi %add3A_145, %add3A_262 : vector<16xi32>
            %gather3A_264 = tpu.vector_load_idx %arg10[%add3A_263, %get3A_260] : memref<256x128xf32, #tpu.memory_space<vmem>>[vector<16xi32>, vector<16xi32>], vector<16xf32>,
            %add3A_265 = arith.constant 1 : i32
            %add3A_266 = vector.broadcast %add3A_265 : i32 to vector<16xi32>
            %add3A_267 = arith.addi %get3A_260, %add3A_266 : vector<16xi32>
            %gather3A_268 = tpu.vector_load_idx %arg10[%add3A_263, %add3A_267] : memref<256x128xf32, #tpu.memory_space<vmem>>[vector<16xi32>, vector<16xi32>], vector<16xf32>,
            %mul3A_269 = arith.mulf %gather3A_264, %mul3A_253 : vector<16xf32>
            %add3A_270 = arith.addf %add3A_249, %mul3A_269 : vector<16xf32>
            %mul3A_271 = arith.mulf %gather3A_268, %mul3A_253 : vector<16xf32>
            %add3A_272 = arith.addf %add3A_251, %mul3A_271 : vector<16xf32>
            %mul3A_273 = arith.mulf %get3A_121, %get3A_125 : vector<16xf32>
            %mul3A_274 = arith.mulf %mul3A_273, %sub3A_137 : vector<16xf32>
            %mul3A_275 = arith.constant 256 : i32
            %mul3A_276 = arith.muli %mul3A_71, %mul3A_275 : i32
            %add3A_277 = arith.constant 192 : i32
            %add3A_278 = arith.addi %mul3A_276, %add3A_277 : i32
            %add3A_279 = arith.addi %add3A_278, %mul3A_147 : i32
            %get3A_280 = arith.index_cast %add3A_279 : i32 to index
            %get3A_281 = tpu.vector_load %arg9[%get3A_280] {strides = array<i32>} : memref<4096xi32, #tpu.memory_space<vmem>>, vector<16xi32>,
            %add3A_282 = arith.constant 192 : i32
            %add3A_283 = vector.broadcast %add3A_282 : i32 to vector<16xi32>
            %add3A_284 = arith.addi %add3A_145, %add3A_283 : vector<16xi32>
            %gather3A_285 = tpu.vector_load_idx %arg10[%add3A_284, %get3A_281] : memref<256x128xf32, #tpu.memory_space<vmem>>[vector<16xi32>, vector<16xi32>], vector<16xf32>,
            %add3A_286 = arith.constant 1 : i32
            %add3A_287 = vector.broadcast %add3A_286 : i32 to vector<16xi32>
            %add3A_288 = arith.addi %get3A_281, %add3A_287 : vector<16xi32>
            %gather3A_289 = tpu.vector_load_idx %arg10[%add3A_284, %add3A_288] : memref<256x128xf32, #tpu.memory_space<vmem>>[vector<16xi32>, vector<16xi32>], vector<16xf32>,
            %mul3A_290 = arith.mulf %gather3A_285, %mul3A_274 : vector<16xf32>
            %add3A_291 = arith.addf %add3A_270, %mul3A_290 : vector<16xf32>
            %mul3A_292 = arith.mulf %gather3A_289, %mul3A_274 : vector<16xf32>
            %add3A_293 = arith.addf %add3A_272, %mul3A_292 : vector<16xf32>
            %mul3A_294 = arith.mulf %get3A_121, %get3A_125 : vector<16xf32>
            %mul3A_295 = arith.mulf %mul3A_294, %get3A_129 : vector<16xf32>
            %mul3A_296 = arith.constant 256 : i32
            %mul3A_297 = arith.muli %mul3A_71, %mul3A_296 : i32
            %add3A_298 = arith.constant 224 : i32
            %add3A_299 = arith.addi %mul3A_297, %add3A_298 : i32
            %add3A_300 = arith.addi %add3A_299, %mul3A_147 : i32
            %get3A_301 = arith.index_cast %add3A_300 : i32 to index
            %get3A_302 = tpu.vector_load %arg9[%get3A_301] {strides = array<i32>} : memref<4096xi32, #tpu.memory_space<vmem>>, vector<16xi32>,
            %add3A_303 = arith.constant 224 : i32
            %add3A_304 = vector.broadcast %add3A_303 : i32 to vector<16xi32>
            %add3A_305 = arith.addi %add3A_145, %add3A_304 : vector<16xi32>
            %gather3A_306 = tpu.vector_load_idx %arg10[%add3A_305, %get3A_302] : memref<256x128xf32, #tpu.memory_space<vmem>>[vector<16xi32>, vector<16xi32>], vector<16xf32>,
            %add3A_307 = arith.constant 1 : i32
            %add3A_308 = vector.broadcast %add3A_307 : i32 to vector<16xi32>
            %add3A_309 = arith.addi %get3A_302, %add3A_308 : vector<16xi32>
            %gather3A_310 = tpu.vector_load_idx %arg10[%add3A_305, %add3A_309] : memref<256x128xf32, #tpu.memory_space<vmem>>[vector<16xi32>, vector<16xi32>], vector<16xf32>,
            %mul3A_311 = arith.mulf %gather3A_306, %mul3A_295 : vector<16xf32>
            %add3A_312 = arith.addf %add3A_291, %mul3A_311 : vector<16xf32>
            %mul3A_313 = arith.mulf %gather3A_310, %mul3A_295 : vector<16xf32>
            %add3A_314 = arith.addf %add3A_293, %mul3A_313 : vector<16xf32>
            %add3A_315 = arith.addi %mul3A_26, %add3A_117 : i32
            %swap3A = arith.constant 0 : i32
            %swap3A_316 = arith.index_cast %swap3A : i32 to index
            %swap3A_317 = arith.index_cast %add3A_315 : i32 to index
            %swap3A_318 = tpu.vector_load %arg12[%swap3A_316, %swap3A_317] {strides = array<i32>} : memref<2x8192xf32, #tpu.memory_space<vmem>>, vector<16xf32>,
            tpu.vector_store %arg12[%swap3A_316, %swap3A_317], %add3A_312 {strides = array<i32>} : memref<2x8192xf32, #tpu.memory_space<vmem>>, vector<16xf32>,
            %add3A_319 = arith.addi %mul3A_26, %add3A_117 : i32
            %swap3A_320 = arith.constant 1 : i32
            %swap3A_321 = arith.index_cast %swap3A_320 : i32 to index
            %swap3A_322 = arith.index_cast %add3A_319 : i32 to index
            %swap3A_323 = tpu.vector_load %arg12[%swap3A_321, %swap3A_322] {strides = array<i32>} : memref<2x8192xf32, #tpu.memory_space<vmem>>, vector<16xf32>,
            tpu.vector_store %arg12[%swap3A_321, %swap3A_322], %add3A_314 {strides = array<i32>} : memref<2x8192xf32, #tpu.memory_space<vmem>>, vector<16xf32>,
          }
          %scan3A_82 = arith.constant 2 : i32
          %add3A_83 = arith.constant 2 : i32
          %add3A_84 = arith.addi %mul3A_71, %add3A_83 : i32
          %mul3A_85 = arith.constant 256 : i32
          %mul3A_86 = arith.muli %add3A_84, %mul3A_85 : i32
          %dma_start3A_87 = tpu.memref_slice %arg8[%mul3A_86] : memref<4096xi32, #tpu.memory_space<vmem>> -> memref<256xi32, #tpu.memory_space<vmem>>
          %dma_start3A_88 = arith.constant 0 : i32
          %dma_start3A_89 = arith.constant 0 : i32
          %dma_start3A_90 = tpu.memref_slice %arg3[%dma_start3A_88, %dma_start3A_89] : memref<131072x128xf32, #tpu.memory_space<hbm>> -> memref<131072x128xf32, #tpu.memory_space<hbm>>
          tpu.enqueue_indirect_dma source(%dma_start3A_90 : memref<131072x128xf32, #tpu.memory_space<hbm>>) target(%arg10 : memref<256x128xf32, #tpu.memory_space<vmem>>) offsets(%dma_start3A_87 : memref<256xi32, #tpu.memory_space<vmem>>) semaphore(%arg14 : memref<!tpu.dma_semaphore, #tpu.memory_space<semaphore_mem>>)
          %dma_wait3A_91 = arith.constant 0 : i32
          %dma_wait3A_92 = tpu.memref_slice %arg8[%dma_wait3A_91] : memref<4096xi32, #tpu.memory_space<vmem>> -> memref<256xi32, #tpu.memory_space<vmem>>
          %dma_wait3A_93 = arith.constant 0 : i32
          %dma_wait3A_94 = arith.constant 0 : i32
          %dma_wait3A_95 = tpu.memref_slice %arg3[%dma_wait3A_93, %dma_wait3A_94] : memref<131072x128xf32, #tpu.memory_space<hbm>> -> memref<131072x128xf32, #tpu.memory_space<hbm>>
          tpu.wait_indirect_dma semaphore(%arg15 : memref<!tpu.dma_semaphore, #tpu.memory_space<semaphore_mem>>) src(%dma_wait3A_95 : memref<131072x128xf32, #tpu.memory_space<hbm>>) dst(%arg11 : memref<256x128xf32, #tpu.memory_space<vmem>>)
          %add3A_96 = arith.constant 1 : i32
          %add3A_97 = arith.addi %mul3A_71, %add3A_96 : i32
          %scan3A_98 = arith.constant 0 : i32
          %scan3A_99 = arith.constant 0 : i32
          %scan3A_100 = arith.constant 2 : i32
          %scan3A_101 = arith.addi %scan3A_99, %scan3A_100 : i32
          %scan3A_102 = arith.constant 1 : i32
          scf.for %scan3A_112 = %scan3A_99 to %scan3A_101 step %scan3A_102  : i32 {
            %mul3A_113 = arith.constant 32 : i32
            %mul3A_114 = arith.muli %add3A_97, %mul3A_113 : i32
            %mul3A_115 = arith.constant 16 : i32
            %mul3A_116 = arith.muli %scan3A_112, %mul3A_115 : i32
            %add3A_117 = arith.addi %mul3A_114, %mul3A_116 : i32
            %get3A_118 = arith.constant 0 : i32
            %get3A_119 = arith.index_cast %get3A_118 : i32 to index
            %get3A_120 = arith.index_cast %add3A_117 : i32 to index
            %get3A_121 = tpu.vector_load %arg7[%get3A_119, %get3A_120] {strides = array<i32>} : memref<3x512xf32, #tpu.memory_space<vmem>>, vector<16xf32>,
            %get3A_122 = arith.constant 1 : i32
            %get3A_123 = arith.index_cast %get3A_122 : i32 to index
            %get3A_124 = arith.index_cast %add3A_117 : i32 to index
            %get3A_125 = tpu.vector_load %arg7[%get3A_123, %get3A_124] {strides = array<i32>} : memref<3x512xf32, #tpu.memory_space<vmem>>, vector<16xf32>,
            %get3A_126 = arith.constant 2 : i32
            %get3A_127 = arith.index_cast %get3A_126 : i32 to index
            %get3A_128 = arith.index_cast %add3A_117 : i32 to index
            %get3A_129 = tpu.vector_load %arg7[%get3A_127, %get3A_128] {strides = array<i32>} : memref<3x512xf32, #tpu.memory_space<vmem>>, vector<16xf32>,
            %sub3A = arith.constant 1.000000e+00 : f32
            %sub3A_130 = vector.broadcast %sub3A : f32 to vector<16xf32>
            %sub3A_131 = arith.subf %sub3A_130, %get3A_121 : vector<16xf32>
            %sub3A_132 = arith.constant 1.000000e+00 : f32
            %sub3A_133 = vector.broadcast %sub3A_132 : f32 to vector<16xf32>
            %sub3A_134 = arith.subf %sub3A_133, %get3A_125 : vector<16xf32>
            %sub3A_135 = arith.constant 1.000000e+00 : f32
            %sub3A_136 = vector.broadcast %sub3A_135 : f32 to vector<16xf32>
            %sub3A_137 = arith.subf %sub3A_136, %get3A_129 : vector<16xf32>
            %broadcast_in_dim3A_138 = arith.constant 0.000000e+00 : f32
            %broadcast_in_dim3A_139 = vector.broadcast %broadcast_in_dim3A_138 : f32 to vector<16xf32>
            %broadcast_in_dim3A_140 = arith.constant 0.000000e+00 : f32
            %broadcast_in_dim3A_141 = vector.broadcast %broadcast_in_dim3A_140 : f32 to vector<16xf32>
            %mul3A_142 = arith.constant 16 : i32
            %mul3A_143 = arith.muli %scan3A_112, %mul3A_142 : i32
            %add3A_144 = vector.broadcast %mul3A_143 : i32 to vector<16xi32>
            %add3A_145 = arith.addi %add3A_144, %iota3A : vector<16xi32>
            %mul3A_146 = arith.constant 16 : i32
            %mul3A_147 = arith.muli %scan3A_112, %mul3A_146 : i32
            %mul3A_148 = arith.mulf %sub3A_131, %sub3A_134 : vector<16xf32>
            %mul3A_149 = arith.mulf %mul3A_148, %sub3A_137 : vector<16xf32>
            %mul3A_150 = arith.constant 256 : i32
            %mul3A_151 = arith.muli %add3A_97, %mul3A_150 : i32
            %add3A_152 = arith.constant 0 : i32
            %add3A_153 = arith.addi %mul3A_151, %add3A_152 : i32
            %add3A_154 = arith.addi %add3A_153, %mul3A_147 : i32
            %get3A_155 = arith.index_cast %add3A_154 : i32 to index
            %get3A_156 = tpu.vector_load %arg9[%get3A_155] {strides = array<i32>} : memref<4096xi32, #tpu.memory_space<vmem>>, vector<16xi32>,
            %add3A_157 = arith.constant 0 : i32
            %add3A_158 = vector.broadcast %add3A_157 : i32 to vector<16xi32>
            %add3A_159 = arith.addi %add3A_145, %add3A_158 : vector<16xi32>
            %gather3A = tpu.vector_load_idx %arg11[%add3A_159, %get3A_156] : memref<256x128xf32, #tpu.memory_space<vmem>>[vector<16xi32>, vector<16xi32>], vector<16xf32>,
            %add3A_160 = arith.constant 1 : i32
            %add3A_161 = vector.broadcast %add3A_160 : i32 to vector<16xi32>
            %add3A_162 = arith.addi %get3A_156, %add3A_161 : vector<16xi32>
            %gather3A_163 = tpu.vector_load_idx %arg11[%add3A_159, %add3A_162] : memref<256x128xf32, #tpu.memory_space<vmem>>[vector<16xi32>, vector<16xi32>], vector<16xf32>,
            %mul3A_164 = arith.mulf %gather3A, %mul3A_149 : vector<16xf32>
            %add3A_165 = arith.addf %broadcast_in_dim3A_139, %mul3A_164 : vector<16xf32>
            %mul3A_166 = arith.mulf %gather3A_163, %mul3A_149 : vector<16xf32>
            %add3A_167 = arith.addf %broadcast_in_dim3A_141, %mul3A_166 : vector<16xf32>
            %mul3A_168 = arith.mulf %sub3A_131, %sub3A_134 : vector<16xf32>
            %mul3A_169 = arith.mulf %mul3A_168, %get3A_129 : vector<16xf32>
            %mul3A_170 = arith.constant 256 : i32
            %mul3A_171 = arith.muli %add3A_97, %mul3A_170 : i32
            %add3A_172 = arith.constant 32 : i32
            %add3A_173 = arith.addi %mul3A_171, %add3A_172 : i32
            %add3A_174 = arith.addi %add3A_173, %mul3A_147 : i32
            %get3A_175 = arith.index_cast %add3A_174 : i32 to index
            %get3A_176 = tpu.vector_load %arg9[%get3A_175] {strides = array<i32>} : memref<4096xi32, #tpu.memory_space<vmem>>, vector<16xi32>,
            %add3A_177 = arith.constant 32 : i32
            %add3A_178 = vector.broadcast %add3A_177 : i32 to vector<16xi32>
            %add3A_179 = arith.addi %add3A_145, %add3A_178 : vector<16xi32>
            %gather3A_180 = tpu.vector_load_idx %arg11[%add3A_179, %get3A_176] : memref<256x128xf32, #tpu.memory_space<vmem>>[vector<16xi32>, vector<16xi32>], vector<16xf32>,
            %add3A_181 = arith.constant 1 : i32
            %add3A_182 = vector.broadcast %add3A_181 : i32 to vector<16xi32>
            %add3A_183 = arith.addi %get3A_176, %add3A_182 : vector<16xi32>
            %gather3A_184 = tpu.vector_load_idx %arg11[%add3A_179, %add3A_183] : memref<256x128xf32, #tpu.memory_space<vmem>>[vector<16xi32>, vector<16xi32>], vector<16xf32>,
            %mul3A_185 = arith.mulf %gather3A_180, %mul3A_169 : vector<16xf32>
            %add3A_186 = arith.addf %add3A_165, %mul3A_185 : vector<16xf32>
            %mul3A_187 = arith.mulf %gather3A_184, %mul3A_169 : vector<16xf32>
            %add3A_188 = arith.addf %add3A_167, %mul3A_187 : vector<16xf32>
            %mul3A_189 = arith.mulf %sub3A_131, %get3A_125 : vector<16xf32>
            %mul3A_190 = arith.mulf %mul3A_189, %sub3A_137 : vector<16xf32>
            %mul3A_191 = arith.constant 256 : i32
            %mul3A_192 = arith.muli %add3A_97, %mul3A_191 : i32
            %add3A_193 = arith.constant 64 : i32
            %add3A_194 = arith.addi %mul3A_192, %add3A_193 : i32
            %add3A_195 = arith.addi %add3A_194, %mul3A_147 : i32
            %get3A_196 = arith.index_cast %add3A_195 : i32 to index
            %get3A_197 = tpu.vector_load %arg9[%get3A_196] {strides = array<i32>} : memref<4096xi32, #tpu.memory_space<vmem>>, vector<16xi32>,
            %add3A_198 = arith.constant 64 : i32
            %add3A_199 = vector.broadcast %add3A_198 : i32 to vector<16xi32>
            %add3A_200 = arith.addi %add3A_145, %add3A_199 : vector<16xi32>
            %gather3A_201 = tpu.vector_load_idx %arg11[%add3A_200, %get3A_197] : memref<256x128xf32, #tpu.memory_space<vmem>>[vector<16xi32>, vector<16xi32>], vector<16xf32>,
            %add3A_202 = arith.constant 1 : i32
            %add3A_203 = vector.broadcast %add3A_202 : i32 to vector<16xi32>
            %add3A_204 = arith.addi %get3A_197, %add3A_203 : vector<16xi32>
            %gather3A_205 = tpu.vector_load_idx %arg11[%add3A_200, %add3A_204] : memref<256x128xf32, #tpu.memory_space<vmem>>[vector<16xi32>, vector<16xi32>], vector<16xf32>,
            %mul3A_206 = arith.mulf %gather3A_201, %mul3A_190 : vector<16xf32>
            %add3A_207 = arith.addf %add3A_186, %mul3A_206 : vector<16xf32>
            %mul3A_208 = arith.mulf %gather3A_205, %mul3A_190 : vector<16xf32>
            %add3A_209 = arith.addf %add3A_188, %mul3A_208 : vector<16xf32>
            %mul3A_210 = arith.mulf %sub3A_131, %get3A_125 : vector<16xf32>
            %mul3A_211 = arith.mulf %mul3A_210, %get3A_129 : vector<16xf32>
            %mul3A_212 = arith.constant 256 : i32
            %mul3A_213 = arith.muli %add3A_97, %mul3A_212 : i32
            %add3A_214 = arith.constant 96 : i32
            %add3A_215 = arith.addi %mul3A_213, %add3A_214 : i32
            %add3A_216 = arith.addi %add3A_215, %mul3A_147 : i32
            %get3A_217 = arith.index_cast %add3A_216 : i32 to index
            %get3A_218 = tpu.vector_load %arg9[%get3A_217] {strides = array<i32>} : memref<4096xi32, #tpu.memory_space<vmem>>, vector<16xi32>,
            %add3A_219 = arith.constant 96 : i32
            %add3A_220 = vector.broadcast %add3A_219 : i32 to vector<16xi32>
            %add3A_221 = arith.addi %add3A_145, %add3A_220 : vector<16xi32>
            %gather3A_222 = tpu.vector_load_idx %arg11[%add3A_221, %get3A_218] : memref<256x128xf32, #tpu.memory_space<vmem>>[vector<16xi32>, vector<16xi32>], vector<16xf32>,
            %add3A_223 = arith.constant 1 : i32
            %add3A_224 = vector.broadcast %add3A_223 : i32 to vector<16xi32>
            %add3A_225 = arith.addi %get3A_218, %add3A_224 : vector<16xi32>
            %gather3A_226 = tpu.vector_load_idx %arg11[%add3A_221, %add3A_225] : memref<256x128xf32, #tpu.memory_space<vmem>>[vector<16xi32>, vector<16xi32>], vector<16xf32>,
            %mul3A_227 = arith.mulf %gather3A_222, %mul3A_211 : vector<16xf32>
            %add3A_228 = arith.addf %add3A_207, %mul3A_227 : vector<16xf32>
            %mul3A_229 = arith.mulf %gather3A_226, %mul3A_211 : vector<16xf32>
            %add3A_230 = arith.addf %add3A_209, %mul3A_229 : vector<16xf32>
            %mul3A_231 = arith.mulf %get3A_121, %sub3A_134 : vector<16xf32>
            %mul3A_232 = arith.mulf %mul3A_231, %sub3A_137 : vector<16xf32>
            %mul3A_233 = arith.constant 256 : i32
            %mul3A_234 = arith.muli %add3A_97, %mul3A_233 : i32
            %add3A_235 = arith.constant 128 : i32
            %add3A_236 = arith.addi %mul3A_234, %add3A_235 : i32
            %add3A_237 = arith.addi %add3A_236, %mul3A_147 : i32
            %get3A_238 = arith.index_cast %add3A_237 : i32 to index
            %get3A_239 = tpu.vector_load %arg9[%get3A_238] {strides = array<i32>} : memref<4096xi32, #tpu.memory_space<vmem>>, vector<16xi32>,
            %add3A_240 = arith.constant 128 : i32
            %add3A_241 = vector.broadcast %add3A_240 : i32 to vector<16xi32>
            %add3A_242 = arith.addi %add3A_145, %add3A_241 : vector<16xi32>
            %gather3A_243 = tpu.vector_load_idx %arg11[%add3A_242, %get3A_239] : memref<256x128xf32, #tpu.memory_space<vmem>>[vector<16xi32>, vector<16xi32>], vector<16xf32>,
            %add3A_244 = arith.constant 1 : i32
            %add3A_245 = vector.broadcast %add3A_244 : i32 to vector<16xi32>
            %add3A_246 = arith.addi %get3A_239, %add3A_245 : vector<16xi32>
            %gather3A_247 = tpu.vector_load_idx %arg11[%add3A_242, %add3A_246] : memref<256x128xf32, #tpu.memory_space<vmem>>[vector<16xi32>, vector<16xi32>], vector<16xf32>,
            %mul3A_248 = arith.mulf %gather3A_243, %mul3A_232 : vector<16xf32>
            %add3A_249 = arith.addf %add3A_228, %mul3A_248 : vector<16xf32>
            %mul3A_250 = arith.mulf %gather3A_247, %mul3A_232 : vector<16xf32>
            %add3A_251 = arith.addf %add3A_230, %mul3A_250 : vector<16xf32>
            %mul3A_252 = arith.mulf %get3A_121, %sub3A_134 : vector<16xf32>
            %mul3A_253 = arith.mulf %mul3A_252, %get3A_129 : vector<16xf32>
            %mul3A_254 = arith.constant 256 : i32
            %mul3A_255 = arith.muli %add3A_97, %mul3A_254 : i32
            %add3A_256 = arith.constant 160 : i32
            %add3A_257 = arith.addi %mul3A_255, %add3A_256 : i32
            %add3A_258 = arith.addi %add3A_257, %mul3A_147 : i32
            %get3A_259 = arith.index_cast %add3A_258 : i32 to index
            %get3A_260 = tpu.vector_load %arg9[%get3A_259] {strides = array<i32>} : memref<4096xi32, #tpu.memory_space<vmem>>, vector<16xi32>,
            %add3A_261 = arith.constant 160 : i32
            %add3A_262 = vector.broadcast %add3A_261 : i32 to vector<16xi32>
            %add3A_263 = arith.addi %add3A_145, %add3A_262 : vector<16xi32>
            %gather3A_264 = tpu.vector_load_idx %arg11[%add3A_263, %get3A_260] : memref<256x128xf32, #tpu.memory_space<vmem>>[vector<16xi32>, vector<16xi32>], vector<16xf32>,
            %add3A_265 = arith.constant 1 : i32
            %add3A_266 = vector.broadcast %add3A_265 : i32 to vector<16xi32>
            %add3A_267 = arith.addi %get3A_260, %add3A_266 : vector<16xi32>
            %gather3A_268 = tpu.vector_load_idx %arg11[%add3A_263, %add3A_267] : memref<256x128xf32, #tpu.memory_space<vmem>>[vector<16xi32>, vector<16xi32>], vector<16xf32>,
            %mul3A_269 = arith.mulf %gather3A_264, %mul3A_253 : vector<16xf32>
            %add3A_270 = arith.addf %add3A_249, %mul3A_269 : vector<16xf32>
            %mul3A_271 = arith.mulf %gather3A_268, %mul3A_253 : vector<16xf32>
            %add3A_272 = arith.addf %add3A_251, %mul3A_271 : vector<16xf32>
            %mul3A_273 = arith.mulf %get3A_121, %get3A_125 : vector<16xf32>
            %mul3A_274 = arith.mulf %mul3A_273, %sub3A_137 : vector<16xf32>
            %mul3A_275 = arith.constant 256 : i32
            %mul3A_276 = arith.muli %add3A_97, %mul3A_275 : i32
            %add3A_277 = arith.constant 192 : i32
            %add3A_278 = arith.addi %mul3A_276, %add3A_277 : i32
            %add3A_279 = arith.addi %add3A_278, %mul3A_147 : i32
            %get3A_280 = arith.index_cast %add3A_279 : i32 to index
            %get3A_281 = tpu.vector_load %arg9[%get3A_280] {strides = array<i32>} : memref<4096xi32, #tpu.memory_space<vmem>>, vector<16xi32>,
            %add3A_282 = arith.constant 192 : i32
            %add3A_283 = vector.broadcast %add3A_282 : i32 to vector<16xi32>
            %add3A_284 = arith.addi %add3A_145, %add3A_283 : vector<16xi32>
            %gather3A_285 = tpu.vector_load_idx %arg11[%add3A_284, %get3A_281] : memref<256x128xf32, #tpu.memory_space<vmem>>[vector<16xi32>, vector<16xi32>], vector<16xf32>,
            %add3A_286 = arith.constant 1 : i32
            %add3A_287 = vector.broadcast %add3A_286 : i32 to vector<16xi32>
            %add3A_288 = arith.addi %get3A_281, %add3A_287 : vector<16xi32>
            %gather3A_289 = tpu.vector_load_idx %arg11[%add3A_284, %add3A_288] : memref<256x128xf32, #tpu.memory_space<vmem>>[vector<16xi32>, vector<16xi32>], vector<16xf32>,
            %mul3A_290 = arith.mulf %gather3A_285, %mul3A_274 : vector<16xf32>
            %add3A_291 = arith.addf %add3A_270, %mul3A_290 : vector<16xf32>
            %mul3A_292 = arith.mulf %gather3A_289, %mul3A_274 : vector<16xf32>
            %add3A_293 = arith.addf %add3A_272, %mul3A_292 : vector<16xf32>
            %mul3A_294 = arith.mulf %get3A_121, %get3A_125 : vector<16xf32>
            %mul3A_295 = arith.mulf %mul3A_294, %get3A_129 : vector<16xf32>
            %mul3A_296 = arith.constant 256 : i32
            %mul3A_297 = arith.muli %add3A_97, %mul3A_296 : i32
            %add3A_298 = arith.constant 224 : i32
            %add3A_299 = arith.addi %mul3A_297, %add3A_298 : i32
            %add3A_300 = arith.addi %add3A_299, %mul3A_147 : i32
            %get3A_301 = arith.index_cast %add3A_300 : i32 to index
            %get3A_302 = tpu.vector_load %arg9[%get3A_301] {strides = array<i32>} : memref<4096xi32, #tpu.memory_space<vmem>>, vector<16xi32>,
            %add3A_303 = arith.constant 224 : i32
            %add3A_304 = vector.broadcast %add3A_303 : i32 to vector<16xi32>
            %add3A_305 = arith.addi %add3A_145, %add3A_304 : vector<16xi32>
            %gather3A_306 = tpu.vector_load_idx %arg11[%add3A_305, %get3A_302] : memref<256x128xf32, #tpu.memory_space<vmem>>[vector<16xi32>, vector<16xi32>], vector<16xf32>,
            %add3A_307 = arith.constant 1 : i32
            %add3A_308 = vector.broadcast %add3A_307 : i32 to vector<16xi32>
            %add3A_309 = arith.addi %get3A_302, %add3A_308 : vector<16xi32>
            %gather3A_310 = tpu.vector_load_idx %arg11[%add3A_305, %add3A_309] : memref<256x128xf32, #tpu.memory_space<vmem>>[vector<16xi32>, vector<16xi32>], vector<16xf32>,
            %mul3A_311 = arith.mulf %gather3A_306, %mul3A_295 : vector<16xf32>
            %add3A_312 = arith.addf %add3A_291, %mul3A_311 : vector<16xf32>
            %mul3A_313 = arith.mulf %gather3A_310, %mul3A_295 : vector<16xf32>
            %add3A_314 = arith.addf %add3A_293, %mul3A_313 : vector<16xf32>
            %add3A_315 = arith.addi %mul3A_26, %add3A_117 : i32
            %swap3A = arith.constant 0 : i32
            %swap3A_316 = arith.index_cast %swap3A : i32 to index
            %swap3A_317 = arith.index_cast %add3A_315 : i32 to index
            %swap3A_318 = tpu.vector_load %arg12[%swap3A_316, %swap3A_317] {strides = array<i32>} : memref<2x8192xf32, #tpu.memory_space<vmem>>, vector<16xf32>,
            tpu.vector_store %arg12[%swap3A_316, %swap3A_317], %add3A_312 {strides = array<i32>} : memref<2x8192xf32, #tpu.memory_space<vmem>>, vector<16xf32>,
            %add3A_319 = arith.addi %mul3A_26, %add3A_117 : i32
            %swap3A_320 = arith.constant 1 : i32
            %swap3A_321 = arith.index_cast %swap3A_320 : i32 to index
            %swap3A_322 = arith.index_cast %add3A_319 : i32 to index
            %swap3A_323 = tpu.vector_load %arg12[%swap3A_321, %swap3A_322] {strides = array<i32>} : memref<2x8192xf32, #tpu.memory_space<vmem>>, vector<16xf32>,
            tpu.vector_store %arg12[%swap3A_321, %swap3A_322], %add3A_314 {strides = array<i32>} : memref<2x8192xf32, #tpu.memory_space<vmem>>, vector<16xf32>,
          }
          %scan3A_103 = arith.constant 2 : i32
          %add3A_104 = arith.constant 3 : i32
          %add3A_105 = arith.addi %mul3A_71, %add3A_104 : i32
          %mul3A_106 = arith.constant 256 : i32
          %mul3A_107 = arith.muli %add3A_105, %mul3A_106 : i32
          %dma_start3A_108 = tpu.memref_slice %arg8[%mul3A_107] : memref<4096xi32, #tpu.memory_space<vmem>> -> memref<256xi32, #tpu.memory_space<vmem>>
          %dma_start3A_109 = arith.constant 0 : i32
          %dma_start3A_110 = arith.constant 0 : i32
          %dma_start3A_111 = tpu.memref_slice %arg3[%dma_start3A_109, %dma_start3A_110] : memref<131072x128xf32, #tpu.memory_space<hbm>> -> memref<131072x128xf32, #tpu.memory_space<hbm>>
          tpu.enqueue_indirect_dma source(%dma_start3A_111 : memref<131072x128xf32, #tpu.memory_space<hbm>>) target(%arg11 : memref<256x128xf32, #tpu.memory_space<vmem>>) offsets(%dma_start3A_108 : memref<256xi32, #tpu.memory_space<vmem>>) semaphore(%arg15 : memref<!tpu.dma_semaphore, #tpu.memory_space<semaphore_mem>>)
        }
        %scan3A_47 = arith.constant 7 : i32
        %dma_wait3A = arith.constant 0 : i32
        %dma_wait3A_48 = tpu.memref_slice %arg8[%dma_wait3A] : memref<4096xi32, #tpu.memory_space<vmem>> -> memref<256xi32, #tpu.memory_space<vmem>>
        %dma_wait3A_49 = arith.constant 0 : i32
        %dma_wait3A_50 = arith.constant 0 : i32
        %dma_wait3A_51 = tpu.memref_slice %arg3[%dma_wait3A_49, %dma_wait3A_50] : memref<131072x128xf32, #tpu.memory_space<hbm>> -> memref<131072x128xf32, #tpu.memory_space<hbm>>
        tpu.wait_indirect_dma semaphore(%arg14 : memref<!tpu.dma_semaphore, #tpu.memory_space<semaphore_mem>>) src(%dma_wait3A_51 : memref<131072x128xf32, #tpu.memory_space<hbm>>) dst(%arg10 : memref<256x128xf32, #tpu.memory_space<vmem>>)
        %scan3A_52 = arith.constant 0 : i32
        %scan3A_53 = arith.constant 0 : i32
        %scan3A_54 = arith.constant 2 : i32
        %scan3A_55 = arith.addi %scan3A_53, %scan3A_54 : i32
        %scan3A_56 = arith.constant 1 : i32
        scf.for %scan3A_69 = %scan3A_53 to %scan3A_55 step %scan3A_56  : i32 {
          %mul3A_70 = arith.constant 16 : i32
          %mul3A_71 = arith.muli %scan3A_69, %mul3A_70 : i32
          %add3A_72 = arith.constant 448 : i32
          %add3A_73 = arith.addi %add3A_72, %mul3A_71 : i32
          %get3A_74 = arith.constant 0 : i32
          %get3A_75 = arith.index_cast %get3A_74 : i32 to index
          %get3A_76 = arith.index_cast %add3A_73 : i32 to index
          %get3A_77 = tpu.vector_load %arg7[%get3A_75, %get3A_76] {strides = array<i32>} : memref<3x512xf32, #tpu.memory_space<vmem>>, vector<16xf32>,
          %get3A_78 = arith.constant 1 : i32
          %get3A_79 = arith.index_cast %get3A_78 : i32 to index
          %get3A_80 = arith.index_cast %add3A_73 : i32 to index
          %get3A_81 = tpu.vector_load %arg7[%get3A_79, %get3A_80] {strides = array<i32>} : memref<3x512xf32, #tpu.memory_space<vmem>>, vector<16xf32>,
          %get3A_82 = arith.constant 2 : i32
          %get3A_83 = arith.index_cast %get3A_82 : i32 to index
          %get3A_84 = arith.index_cast %add3A_73 : i32 to index
          %get3A_85 = tpu.vector_load %arg7[%get3A_83, %get3A_84] {strides = array<i32>} : memref<3x512xf32, #tpu.memory_space<vmem>>, vector<16xf32>,
          %sub3A = arith.constant 1.000000e+00 : f32
          %sub3A_86 = vector.broadcast %sub3A : f32 to vector<16xf32>
          %sub3A_87 = arith.subf %sub3A_86, %get3A_77 : vector<16xf32>
          %sub3A_88 = arith.constant 1.000000e+00 : f32
          %sub3A_89 = vector.broadcast %sub3A_88 : f32 to vector<16xf32>
          %sub3A_90 = arith.subf %sub3A_89, %get3A_81 : vector<16xf32>
          %sub3A_91 = arith.constant 1.000000e+00 : f32
          %sub3A_92 = vector.broadcast %sub3A_91 : f32 to vector<16xf32>
          %sub3A_93 = arith.subf %sub3A_92, %get3A_85 : vector<16xf32>
          %broadcast_in_dim3A_94 = arith.constant 0.000000e+00 : f32
          %broadcast_in_dim3A_95 = vector.broadcast %broadcast_in_dim3A_94 : f32 to vector<16xf32>
          %broadcast_in_dim3A_96 = arith.constant 0.000000e+00 : f32
          %broadcast_in_dim3A_97 = vector.broadcast %broadcast_in_dim3A_96 : f32 to vector<16xf32>
          %mul3A_98 = arith.constant 16 : i32
          %mul3A_99 = arith.muli %scan3A_69, %mul3A_98 : i32
          %add3A_100 = vector.broadcast %mul3A_99 : i32 to vector<16xi32>
          %add3A_101 = arith.addi %add3A_100, %iota3A : vector<16xi32>
          %mul3A_102 = arith.constant 16 : i32
          %mul3A_103 = arith.muli %scan3A_69, %mul3A_102 : i32
          %mul3A_104 = arith.mulf %sub3A_87, %sub3A_90 : vector<16xf32>
          %mul3A_105 = arith.mulf %mul3A_104, %sub3A_93 : vector<16xf32>
          %add3A_106 = arith.constant 3584 : i32
          %add3A_107 = arith.addi %add3A_106, %mul3A_103 : i32
          %get3A_108 = arith.index_cast %add3A_107 : i32 to index
          %get3A_109 = tpu.vector_load %arg9[%get3A_108] {strides = array<i32>} : memref<4096xi32, #tpu.memory_space<vmem>>, vector<16xi32>,
          %add3A_110 = arith.constant 0 : i32
          %add3A_111 = vector.broadcast %add3A_110 : i32 to vector<16xi32>
          %add3A_112 = arith.addi %add3A_101, %add3A_111 : vector<16xi32>
          %gather3A = tpu.vector_load_idx %arg10[%add3A_112, %get3A_109] : memref<256x128xf32, #tpu.memory_space<vmem>>[vector<16xi32>, vector<16xi32>], vector<16xf32>,
          %add3A_113 = arith.constant 1 : i32
          %add3A_114 = vector.broadcast %add3A_113 : i32 to vector<16xi32>
          %add3A_115 = arith.addi %get3A_109, %add3A_114 : vector<16xi32>
          %gather3A_116 = tpu.vector_load_idx %arg10[%add3A_112, %add3A_115] : memref<256x128xf32, #tpu.memory_space<vmem>>[vector<16xi32>, vector<16xi32>], vector<16xf32>,
          %mul3A_117 = arith.mulf %gather3A, %mul3A_105 : vector<16xf32>
          %add3A_118 = arith.addf %broadcast_in_dim3A_95, %mul3A_117 : vector<16xf32>
          %mul3A_119 = arith.mulf %gather3A_116, %mul3A_105 : vector<16xf32>
          %add3A_120 = arith.addf %broadcast_in_dim3A_97, %mul3A_119 : vector<16xf32>
          %mul3A_121 = arith.mulf %sub3A_87, %sub3A_90 : vector<16xf32>
          %mul3A_122 = arith.mulf %mul3A_121, %get3A_85 : vector<16xf32>
          %add3A_123 = arith.constant 3616 : i32
          %add3A_124 = arith.addi %add3A_123, %mul3A_103 : i32
          %get3A_125 = arith.index_cast %add3A_124 : i32 to index
          %get3A_126 = tpu.vector_load %arg9[%get3A_125] {strides = array<i32>} : memref<4096xi32, #tpu.memory_space<vmem>>, vector<16xi32>,
          %add3A_127 = arith.constant 32 : i32
          %add3A_128 = vector.broadcast %add3A_127 : i32 to vector<16xi32>
          %add3A_129 = arith.addi %add3A_101, %add3A_128 : vector<16xi32>
          %gather3A_130 = tpu.vector_load_idx %arg10[%add3A_129, %get3A_126] : memref<256x128xf32, #tpu.memory_space<vmem>>[vector<16xi32>, vector<16xi32>], vector<16xf32>,
          %add3A_131 = arith.constant 1 : i32
          %add3A_132 = vector.broadcast %add3A_131 : i32 to vector<16xi32>
          %add3A_133 = arith.addi %get3A_126, %add3A_132 : vector<16xi32>
          %gather3A_134 = tpu.vector_load_idx %arg10[%add3A_129, %add3A_133] : memref<256x128xf32, #tpu.memory_space<vmem>>[vector<16xi32>, vector<16xi32>], vector<16xf32>,
          %mul3A_135 = arith.mulf %gather3A_130, %mul3A_122 : vector<16xf32>
          %add3A_136 = arith.addf %add3A_118, %mul3A_135 : vector<16xf32>
          %mul3A_137 = arith.mulf %gather3A_134, %mul3A_122 : vector<16xf32>
          %add3A_138 = arith.addf %add3A_120, %mul3A_137 : vector<16xf32>
          %mul3A_139 = arith.mulf %sub3A_87, %get3A_81 : vector<16xf32>
          %mul3A_140 = arith.mulf %mul3A_139, %sub3A_93 : vector<16xf32>
          %add3A_141 = arith.constant 3648 : i32
          %add3A_142 = arith.addi %add3A_141, %mul3A_103 : i32
          %get3A_143 = arith.index_cast %add3A_142 : i32 to index
          %get3A_144 = tpu.vector_load %arg9[%get3A_143] {strides = array<i32>} : memref<4096xi32, #tpu.memory_space<vmem>>, vector<16xi32>,
          %add3A_145 = arith.constant 64 : i32
          %add3A_146 = vector.broadcast %add3A_145 : i32 to vector<16xi32>
          %add3A_147 = arith.addi %add3A_101, %add3A_146 : vector<16xi32>
          %gather3A_148 = tpu.vector_load_idx %arg10[%add3A_147, %get3A_144] : memref<256x128xf32, #tpu.memory_space<vmem>>[vector<16xi32>, vector<16xi32>], vector<16xf32>,
          %add3A_149 = arith.constant 1 : i32
          %add3A_150 = vector.broadcast %add3A_149 : i32 to vector<16xi32>
          %add3A_151 = arith.addi %get3A_144, %add3A_150 : vector<16xi32>
          %gather3A_152 = tpu.vector_load_idx %arg10[%add3A_147, %add3A_151] : memref<256x128xf32, #tpu.memory_space<vmem>>[vector<16xi32>, vector<16xi32>], vector<16xf32>,
          %mul3A_153 = arith.mulf %gather3A_148, %mul3A_140 : vector<16xf32>
          %add3A_154 = arith.addf %add3A_136, %mul3A_153 : vector<16xf32>
          %mul3A_155 = arith.mulf %gather3A_152, %mul3A_140 : vector<16xf32>
          %add3A_156 = arith.addf %add3A_138, %mul3A_155 : vector<16xf32>
          %mul3A_157 = arith.mulf %sub3A_87, %get3A_81 : vector<16xf32>
          %mul3A_158 = arith.mulf %mul3A_157, %get3A_85 : vector<16xf32>
          %add3A_159 = arith.constant 3680 : i32
          %add3A_160 = arith.addi %add3A_159, %mul3A_103 : i32
          %get3A_161 = arith.index_cast %add3A_160 : i32 to index
          %get3A_162 = tpu.vector_load %arg9[%get3A_161] {strides = array<i32>} : memref<4096xi32, #tpu.memory_space<vmem>>, vector<16xi32>,
          %add3A_163 = arith.constant 96 : i32
          %add3A_164 = vector.broadcast %add3A_163 : i32 to vector<16xi32>
          %add3A_165 = arith.addi %add3A_101, %add3A_164 : vector<16xi32>
          %gather3A_166 = tpu.vector_load_idx %arg10[%add3A_165, %get3A_162] : memref<256x128xf32, #tpu.memory_space<vmem>>[vector<16xi32>, vector<16xi32>], vector<16xf32>,
          %add3A_167 = arith.constant 1 : i32
          %add3A_168 = vector.broadcast %add3A_167 : i32 to vector<16xi32>
          %add3A_169 = arith.addi %get3A_162, %add3A_168 : vector<16xi32>
          %gather3A_170 = tpu.vector_load_idx %arg10[%add3A_165, %add3A_169] : memref<256x128xf32, #tpu.memory_space<vmem>>[vector<16xi32>, vector<16xi32>], vector<16xf32>,
          %mul3A_171 = arith.mulf %gather3A_166, %mul3A_158 : vector<16xf32>
          %add3A_172 = arith.addf %add3A_154, %mul3A_171 : vector<16xf32>
          %mul3A_173 = arith.mulf %gather3A_170, %mul3A_158 : vector<16xf32>
          %add3A_174 = arith.addf %add3A_156, %mul3A_173 : vector<16xf32>
          %mul3A_175 = arith.mulf %get3A_77, %sub3A_90 : vector<16xf32>
          %mul3A_176 = arith.mulf %mul3A_175, %sub3A_93 : vector<16xf32>
          %add3A_177 = arith.constant 3712 : i32
          %add3A_178 = arith.addi %add3A_177, %mul3A_103 : i32
          %get3A_179 = arith.index_cast %add3A_178 : i32 to index
          %get3A_180 = tpu.vector_load %arg9[%get3A_179] {strides = array<i32>} : memref<4096xi32, #tpu.memory_space<vmem>>, vector<16xi32>,
          %add3A_181 = arith.constant 128 : i32
          %add3A_182 = vector.broadcast %add3A_181 : i32 to vector<16xi32>
          %add3A_183 = arith.addi %add3A_101, %add3A_182 : vector<16xi32>
          %gather3A_184 = tpu.vector_load_idx %arg10[%add3A_183, %get3A_180] : memref<256x128xf32, #tpu.memory_space<vmem>>[vector<16xi32>, vector<16xi32>], vector<16xf32>,
          %add3A_185 = arith.constant 1 : i32
          %add3A_186 = vector.broadcast %add3A_185 : i32 to vector<16xi32>
          %add3A_187 = arith.addi %get3A_180, %add3A_186 : vector<16xi32>
          %gather3A_188 = tpu.vector_load_idx %arg10[%add3A_183, %add3A_187] : memref<256x128xf32, #tpu.memory_space<vmem>>[vector<16xi32>, vector<16xi32>], vector<16xf32>,
          %mul3A_189 = arith.mulf %gather3A_184, %mul3A_176 : vector<16xf32>
          %add3A_190 = arith.addf %add3A_172, %mul3A_189 : vector<16xf32>
          %mul3A_191 = arith.mulf %gather3A_188, %mul3A_176 : vector<16xf32>
          %add3A_192 = arith.addf %add3A_174, %mul3A_191 : vector<16xf32>
          %mul3A_193 = arith.mulf %get3A_77, %sub3A_90 : vector<16xf32>
          %mul3A_194 = arith.mulf %mul3A_193, %get3A_85 : vector<16xf32>
          %add3A_195 = arith.constant 3744 : i32
          %add3A_196 = arith.addi %add3A_195, %mul3A_103 : i32
          %get3A_197 = arith.index_cast %add3A_196 : i32 to index
          %get3A_198 = tpu.vector_load %arg9[%get3A_197] {strides = array<i32>} : memref<4096xi32, #tpu.memory_space<vmem>>, vector<16xi32>,
          %add3A_199 = arith.constant 160 : i32
          %add3A_200 = vector.broadcast %add3A_199 : i32 to vector<16xi32>
          %add3A_201 = arith.addi %add3A_101, %add3A_200 : vector<16xi32>
          %gather3A_202 = tpu.vector_load_idx %arg10[%add3A_201, %get3A_198] : memref<256x128xf32, #tpu.memory_space<vmem>>[vector<16xi32>, vector<16xi32>], vector<16xf32>,
          %add3A_203 = arith.constant 1 : i32
          %add3A_204 = vector.broadcast %add3A_203 : i32 to vector<16xi32>
          %add3A_205 = arith.addi %get3A_198, %add3A_204 : vector<16xi32>
          %gather3A_206 = tpu.vector_load_idx %arg10[%add3A_201, %add3A_205] : memref<256x128xf32, #tpu.memory_space<vmem>>[vector<16xi32>, vector<16xi32>], vector<16xf32>,
          %mul3A_207 = arith.mulf %gather3A_202, %mul3A_194 : vector<16xf32>
          %add3A_208 = arith.addf %add3A_190, %mul3A_207 : vector<16xf32>
          %mul3A_209 = arith.mulf %gather3A_206, %mul3A_194 : vector<16xf32>
          %add3A_210 = arith.addf %add3A_192, %mul3A_209 : vector<16xf32>
          %mul3A_211 = arith.mulf %get3A_77, %get3A_81 : vector<16xf32>
          %mul3A_212 = arith.mulf %mul3A_211, %sub3A_93 : vector<16xf32>
          %add3A_213 = arith.constant 3776 : i32
          %add3A_214 = arith.addi %add3A_213, %mul3A_103 : i32
          %get3A_215 = arith.index_cast %add3A_214 : i32 to index
          %get3A_216 = tpu.vector_load %arg9[%get3A_215] {strides = array<i32>} : memref<4096xi32, #tpu.memory_space<vmem>>, vector<16xi32>,
          %add3A_217 = arith.constant 192 : i32
          %add3A_218 = vector.broadcast %add3A_217 : i32 to vector<16xi32>
          %add3A_219 = arith.addi %add3A_101, %add3A_218 : vector<16xi32>
          %gather3A_220 = tpu.vector_load_idx %arg10[%add3A_219, %get3A_216] : memref<256x128xf32, #tpu.memory_space<vmem>>[vector<16xi32>, vector<16xi32>], vector<16xf32>,
          %add3A_221 = arith.constant 1 : i32
          %add3A_222 = vector.broadcast %add3A_221 : i32 to vector<16xi32>
          %add3A_223 = arith.addi %get3A_216, %add3A_222 : vector<16xi32>
          %gather3A_224 = tpu.vector_load_idx %arg10[%add3A_219, %add3A_223] : memref<256x128xf32, #tpu.memory_space<vmem>>[vector<16xi32>, vector<16xi32>], vector<16xf32>,
          %mul3A_225 = arith.mulf %gather3A_220, %mul3A_212 : vector<16xf32>
          %add3A_226 = arith.addf %add3A_208, %mul3A_225 : vector<16xf32>
          %mul3A_227 = arith.mulf %gather3A_224, %mul3A_212 : vector<16xf32>
          %add3A_228 = arith.addf %add3A_210, %mul3A_227 : vector<16xf32>
          %mul3A_229 = arith.mulf %get3A_77, %get3A_81 : vector<16xf32>
          %mul3A_230 = arith.mulf %mul3A_229, %get3A_85 : vector<16xf32>
          %add3A_231 = arith.constant 3808 : i32
          %add3A_232 = arith.addi %add3A_231, %mul3A_103 : i32
          %get3A_233 = arith.index_cast %add3A_232 : i32 to index
          %get3A_234 = tpu.vector_load %arg9[%get3A_233] {strides = array<i32>} : memref<4096xi32, #tpu.memory_space<vmem>>, vector<16xi32>,
          %add3A_235 = arith.constant 224 : i32
          %add3A_236 = vector.broadcast %add3A_235 : i32 to vector<16xi32>
          %add3A_237 = arith.addi %add3A_101, %add3A_236 : vector<16xi32>
          %gather3A_238 = tpu.vector_load_idx %arg10[%add3A_237, %get3A_234] : memref<256x128xf32, #tpu.memory_space<vmem>>[vector<16xi32>, vector<16xi32>], vector<16xf32>,
          %add3A_239 = arith.constant 1 : i32
          %add3A_240 = vector.broadcast %add3A_239 : i32 to vector<16xi32>
          %add3A_241 = arith.addi %get3A_234, %add3A_240 : vector<16xi32>
          %gather3A_242 = tpu.vector_load_idx %arg10[%add3A_237, %add3A_241] : memref<256x128xf32, #tpu.memory_space<vmem>>[vector<16xi32>, vector<16xi32>], vector<16xf32>,
          %mul3A_243 = arith.mulf %gather3A_238, %mul3A_230 : vector<16xf32>
          %add3A_244 = arith.addf %add3A_226, %mul3A_243 : vector<16xf32>
          %mul3A_245 = arith.mulf %gather3A_242, %mul3A_230 : vector<16xf32>
          %add3A_246 = arith.addf %add3A_228, %mul3A_245 : vector<16xf32>
          %add3A_247 = arith.addi %mul3A_26, %add3A_73 : i32
          %swap3A = arith.constant 0 : i32
          %swap3A_248 = arith.index_cast %swap3A : i32 to index
          %swap3A_249 = arith.index_cast %add3A_247 : i32 to index
          %swap3A_250 = tpu.vector_load %arg12[%swap3A_248, %swap3A_249] {strides = array<i32>} : memref<2x8192xf32, #tpu.memory_space<vmem>>, vector<16xf32>,
          tpu.vector_store %arg12[%swap3A_248, %swap3A_249], %add3A_244 {strides = array<i32>} : memref<2x8192xf32, #tpu.memory_space<vmem>>, vector<16xf32>,
          %add3A_251 = arith.addi %mul3A_26, %add3A_73 : i32
          %swap3A_252 = arith.constant 1 : i32
          %swap3A_253 = arith.index_cast %swap3A_252 : i32 to index
          %swap3A_254 = arith.index_cast %add3A_251 : i32 to index
          %swap3A_255 = tpu.vector_load %arg12[%swap3A_253, %swap3A_254] {strides = array<i32>} : memref<2x8192xf32, #tpu.memory_space<vmem>>, vector<16xf32>,
          tpu.vector_store %arg12[%swap3A_253, %swap3A_254], %add3A_246 {strides = array<i32>} : memref<2x8192xf32, #tpu.memory_space<vmem>>, vector<16xf32>,
        }
        %scan3A_57 = arith.constant 2 : i32
        %dma_wait3A_58 = arith.constant 0 : i32
        %dma_wait3A_59 = tpu.memref_slice %arg8[%dma_wait3A_58] : memref<4096xi32, #tpu.memory_space<vmem>> -> memref<256xi32, #tpu.memory_space<vmem>>
        %dma_wait3A_60 = arith.constant 0 : i32
        %dma_wait3A_61 = arith.constant 0 : i32
        %dma_wait3A_62 = tpu.memref_slice %arg3[%dma_wait3A_60, %dma_wait3A_61] : memref<131072x128xf32, #tpu.memory_space<hbm>> -> memref<131072x128xf32, #tpu.memory_space<hbm>>
        tpu.wait_indirect_dma semaphore(%arg15 : memref<!tpu.dma_semaphore, #tpu.memory_space<semaphore_mem>>) src(%dma_wait3A_62 : memref<131072x128xf32, #tpu.memory_space<hbm>>) dst(%arg11 : memref<256x128xf32, #tpu.memory_space<vmem>>)
        %scan3A_63 = arith.constant 0 : i32
        %scan3A_64 = arith.constant 0 : i32
        %scan3A_65 = arith.constant 2 : i32
        %scan3A_66 = arith.addi %scan3A_64, %scan3A_65 : i32
        %scan3A_67 = arith.constant 1 : i32
        scf.for %scan3A_69 = %scan3A_64 to %scan3A_66 step %scan3A_67  : i32 {
          %mul3A_70 = arith.constant 16 : i32
          %mul3A_71 = arith.muli %scan3A_69, %mul3A_70 : i32
          %add3A_72 = arith.constant 480 : i32
          %add3A_73 = arith.addi %add3A_72, %mul3A_71 : i32
          %get3A_74 = arith.constant 0 : i32
          %get3A_75 = arith.index_cast %get3A_74 : i32 to index
          %get3A_76 = arith.index_cast %add3A_73 : i32 to index
          %get3A_77 = tpu.vector_load %arg7[%get3A_75, %get3A_76] {strides = array<i32>} : memref<3x512xf32, #tpu.memory_space<vmem>>, vector<16xf32>,
          %get3A_78 = arith.constant 1 : i32
          %get3A_79 = arith.index_cast %get3A_78 : i32 to index
          %get3A_80 = arith.index_cast %add3A_73 : i32 to index
          %get3A_81 = tpu.vector_load %arg7[%get3A_79, %get3A_80] {strides = array<i32>} : memref<3x512xf32, #tpu.memory_space<vmem>>, vector<16xf32>,
          %get3A_82 = arith.constant 2 : i32
          %get3A_83 = arith.index_cast %get3A_82 : i32 to index
          %get3A_84 = arith.index_cast %add3A_73 : i32 to index
          %get3A_85 = tpu.vector_load %arg7[%get3A_83, %get3A_84] {strides = array<i32>} : memref<3x512xf32, #tpu.memory_space<vmem>>, vector<16xf32>,
          %sub3A = arith.constant 1.000000e+00 : f32
          %sub3A_86 = vector.broadcast %sub3A : f32 to vector<16xf32>
          %sub3A_87 = arith.subf %sub3A_86, %get3A_77 : vector<16xf32>
          %sub3A_88 = arith.constant 1.000000e+00 : f32
          %sub3A_89 = vector.broadcast %sub3A_88 : f32 to vector<16xf32>
          %sub3A_90 = arith.subf %sub3A_89, %get3A_81 : vector<16xf32>
          %sub3A_91 = arith.constant 1.000000e+00 : f32
          %sub3A_92 = vector.broadcast %sub3A_91 : f32 to vector<16xf32>
          %sub3A_93 = arith.subf %sub3A_92, %get3A_85 : vector<16xf32>
          %broadcast_in_dim3A_94 = arith.constant 0.000000e+00 : f32
          %broadcast_in_dim3A_95 = vector.broadcast %broadcast_in_dim3A_94 : f32 to vector<16xf32>
          %broadcast_in_dim3A_96 = arith.constant 0.000000e+00 : f32
          %broadcast_in_dim3A_97 = vector.broadcast %broadcast_in_dim3A_96 : f32 to vector<16xf32>
          %mul3A_98 = arith.constant 16 : i32
          %mul3A_99 = arith.muli %scan3A_69, %mul3A_98 : i32
          %add3A_100 = vector.broadcast %mul3A_99 : i32 to vector<16xi32>
          %add3A_101 = arith.addi %add3A_100, %iota3A : vector<16xi32>
          %mul3A_102 = arith.constant 16 : i32
          %mul3A_103 = arith.muli %scan3A_69, %mul3A_102 : i32
          %mul3A_104 = arith.mulf %sub3A_87, %sub3A_90 : vector<16xf32>
          %mul3A_105 = arith.mulf %mul3A_104, %sub3A_93 : vector<16xf32>
          %add3A_106 = arith.constant 3840 : i32
          %add3A_107 = arith.addi %add3A_106, %mul3A_103 : i32
          %get3A_108 = arith.index_cast %add3A_107 : i32 to index
          %get3A_109 = tpu.vector_load %arg9[%get3A_108] {strides = array<i32>} : memref<4096xi32, #tpu.memory_space<vmem>>, vector<16xi32>,
          %add3A_110 = arith.constant 0 : i32
          %add3A_111 = vector.broadcast %add3A_110 : i32 to vector<16xi32>
          %add3A_112 = arith.addi %add3A_101, %add3A_111 : vector<16xi32>
          %gather3A = tpu.vector_load_idx %arg11[%add3A_112, %get3A_109] : memref<256x128xf32, #tpu.memory_space<vmem>>[vector<16xi32>, vector<16xi32>], vector<16xf32>,
          %add3A_113 = arith.constant 1 : i32
          %add3A_114 = vector.broadcast %add3A_113 : i32 to vector<16xi32>
          %add3A_115 = arith.addi %get3A_109, %add3A_114 : vector<16xi32>
          %gather3A_116 = tpu.vector_load_idx %arg11[%add3A_112, %add3A_115] : memref<256x128xf32, #tpu.memory_space<vmem>>[vector<16xi32>, vector<16xi32>], vector<16xf32>,
          %mul3A_117 = arith.mulf %gather3A, %mul3A_105 : vector<16xf32>
          %add3A_118 = arith.addf %broadcast_in_dim3A_95, %mul3A_117 : vector<16xf32>
          %mul3A_119 = arith.mulf %gather3A_116, %mul3A_105 : vector<16xf32>
          %add3A_120 = arith.addf %broadcast_in_dim3A_97, %mul3A_119 : vector<16xf32>
          %mul3A_121 = arith.mulf %sub3A_87, %sub3A_90 : vector<16xf32>
          %mul3A_122 = arith.mulf %mul3A_121, %get3A_85 : vector<16xf32>
          %add3A_123 = arith.constant 3872 : i32
          %add3A_124 = arith.addi %add3A_123, %mul3A_103 : i32
          %get3A_125 = arith.index_cast %add3A_124 : i32 to index
          %get3A_126 = tpu.vector_load %arg9[%get3A_125] {strides = array<i32>} : memref<4096xi32, #tpu.memory_space<vmem>>, vector<16xi32>,
          %add3A_127 = arith.constant 32 : i32
          %add3A_128 = vector.broadcast %add3A_127 : i32 to vector<16xi32>
          %add3A_129 = arith.addi %add3A_101, %add3A_128 : vector<16xi32>
          %gather3A_130 = tpu.vector_load_idx %arg11[%add3A_129, %get3A_126] : memref<256x128xf32, #tpu.memory_space<vmem>>[vector<16xi32>, vector<16xi32>], vector<16xf32>,
          %add3A_131 = arith.constant 1 : i32
          %add3A_132 = vector.broadcast %add3A_131 : i32 to vector<16xi32>
          %add3A_133 = arith.addi %get3A_126, %add3A_132 : vector<16xi32>
          %gather3A_134 = tpu.vector_load_idx %arg11[%add3A_129, %add3A_133] : memref<256x128xf32, #tpu.memory_space<vmem>>[vector<16xi32>, vector<16xi32>], vector<16xf32>,
          %mul3A_135 = arith.mulf %gather3A_130, %mul3A_122 : vector<16xf32>
          %add3A_136 = arith.addf %add3A_118, %mul3A_135 : vector<16xf32>
          %mul3A_137 = arith.mulf %gather3A_134, %mul3A_122 : vector<16xf32>
          %add3A_138 = arith.addf %add3A_120, %mul3A_137 : vector<16xf32>
          %mul3A_139 = arith.mulf %sub3A_87, %get3A_81 : vector<16xf32>
          %mul3A_140 = arith.mulf %mul3A_139, %sub3A_93 : vector<16xf32>
          %add3A_141 = arith.constant 3904 : i32
          %add3A_142 = arith.addi %add3A_141, %mul3A_103 : i32
          %get3A_143 = arith.index_cast %add3A_142 : i32 to index
          %get3A_144 = tpu.vector_load %arg9[%get3A_143] {strides = array<i32>} : memref<4096xi32, #tpu.memory_space<vmem>>, vector<16xi32>,
          %add3A_145 = arith.constant 64 : i32
          %add3A_146 = vector.broadcast %add3A_145 : i32 to vector<16xi32>
          %add3A_147 = arith.addi %add3A_101, %add3A_146 : vector<16xi32>
          %gather3A_148 = tpu.vector_load_idx %arg11[%add3A_147, %get3A_144] : memref<256x128xf32, #tpu.memory_space<vmem>>[vector<16xi32>, vector<16xi32>], vector<16xf32>,
          %add3A_149 = arith.constant 1 : i32
          %add3A_150 = vector.broadcast %add3A_149 : i32 to vector<16xi32>
          %add3A_151 = arith.addi %get3A_144, %add3A_150 : vector<16xi32>
          %gather3A_152 = tpu.vector_load_idx %arg11[%add3A_147, %add3A_151] : memref<256x128xf32, #tpu.memory_space<vmem>>[vector<16xi32>, vector<16xi32>], vector<16xf32>,
          %mul3A_153 = arith.mulf %gather3A_148, %mul3A_140 : vector<16xf32>
          %add3A_154 = arith.addf %add3A_136, %mul3A_153 : vector<16xf32>
          %mul3A_155 = arith.mulf %gather3A_152, %mul3A_140 : vector<16xf32>
          %add3A_156 = arith.addf %add3A_138, %mul3A_155 : vector<16xf32>
          %mul3A_157 = arith.mulf %sub3A_87, %get3A_81 : vector<16xf32>
          %mul3A_158 = arith.mulf %mul3A_157, %get3A_85 : vector<16xf32>
          %add3A_159 = arith.constant 3936 : i32
          %add3A_160 = arith.addi %add3A_159, %mul3A_103 : i32
          %get3A_161 = arith.index_cast %add3A_160 : i32 to index
          %get3A_162 = tpu.vector_load %arg9[%get3A_161] {strides = array<i32>} : memref<4096xi32, #tpu.memory_space<vmem>>, vector<16xi32>,
          %add3A_163 = arith.constant 96 : i32
          %add3A_164 = vector.broadcast %add3A_163 : i32 to vector<16xi32>
          %add3A_165 = arith.addi %add3A_101, %add3A_164 : vector<16xi32>
          %gather3A_166 = tpu.vector_load_idx %arg11[%add3A_165, %get3A_162] : memref<256x128xf32, #tpu.memory_space<vmem>>[vector<16xi32>, vector<16xi32>], vector<16xf32>,
          %add3A_167 = arith.constant 1 : i32
          %add3A_168 = vector.broadcast %add3A_167 : i32 to vector<16xi32>
          %add3A_169 = arith.addi %get3A_162, %add3A_168 : vector<16xi32>
          %gather3A_170 = tpu.vector_load_idx %arg11[%add3A_165, %add3A_169] : memref<256x128xf32, #tpu.memory_space<vmem>>[vector<16xi32>, vector<16xi32>], vector<16xf32>,
          %mul3A_171 = arith.mulf %gather3A_166, %mul3A_158 : vector<16xf32>
          %add3A_172 = arith.addf %add3A_154, %mul3A_171 : vector<16xf32>
          %mul3A_173 = arith.mulf %gather3A_170, %mul3A_158 : vector<16xf32>
          %add3A_174 = arith.addf %add3A_156, %mul3A_173 : vector<16xf32>
          %mul3A_175 = arith.mulf %get3A_77, %sub3A_90 : vector<16xf32>
          %mul3A_176 = arith.mulf %mul3A_175, %sub3A_93 : vector<16xf32>
          %add3A_177 = arith.constant 3968 : i32
          %add3A_178 = arith.addi %add3A_177, %mul3A_103 : i32
          %get3A_179 = arith.index_cast %add3A_178 : i32 to index
          %get3A_180 = tpu.vector_load %arg9[%get3A_179] {strides = array<i32>} : memref<4096xi32, #tpu.memory_space<vmem>>, vector<16xi32>,
          %add3A_181 = arith.constant 128 : i32
          %add3A_182 = vector.broadcast %add3A_181 : i32 to vector<16xi32>
          %add3A_183 = arith.addi %add3A_101, %add3A_182 : vector<16xi32>
          %gather3A_184 = tpu.vector_load_idx %arg11[%add3A_183, %get3A_180] : memref<256x128xf32, #tpu.memory_space<vmem>>[vector<16xi32>, vector<16xi32>], vector<16xf32>,
          %add3A_185 = arith.constant 1 : i32
          %add3A_186 = vector.broadcast %add3A_185 : i32 to vector<16xi32>
          %add3A_187 = arith.addi %get3A_180, %add3A_186 : vector<16xi32>
          %gather3A_188 = tpu.vector_load_idx %arg11[%add3A_183, %add3A_187] : memref<256x128xf32, #tpu.memory_space<vmem>>[vector<16xi32>, vector<16xi32>], vector<16xf32>,
          %mul3A_189 = arith.mulf %gather3A_184, %mul3A_176 : vector<16xf32>
          %add3A_190 = arith.addf %add3A_172, %mul3A_189 : vector<16xf32>
          %mul3A_191 = arith.mulf %gather3A_188, %mul3A_176 : vector<16xf32>
          %add3A_192 = arith.addf %add3A_174, %mul3A_191 : vector<16xf32>
          %mul3A_193 = arith.mulf %get3A_77, %sub3A_90 : vector<16xf32>
          %mul3A_194 = arith.mulf %mul3A_193, %get3A_85 : vector<16xf32>
          %add3A_195 = arith.constant 4000 : i32
          %add3A_196 = arith.addi %add3A_195, %mul3A_103 : i32
          %get3A_197 = arith.index_cast %add3A_196 : i32 to index
          %get3A_198 = tpu.vector_load %arg9[%get3A_197] {strides = array<i32>} : memref<4096xi32, #tpu.memory_space<vmem>>, vector<16xi32>,
          %add3A_199 = arith.constant 160 : i32
          %add3A_200 = vector.broadcast %add3A_199 : i32 to vector<16xi32>
          %add3A_201 = arith.addi %add3A_101, %add3A_200 : vector<16xi32>
          %gather3A_202 = tpu.vector_load_idx %arg11[%add3A_201, %get3A_198] : memref<256x128xf32, #tpu.memory_space<vmem>>[vector<16xi32>, vector<16xi32>], vector<16xf32>,
          %add3A_203 = arith.constant 1 : i32
          %add3A_204 = vector.broadcast %add3A_203 : i32 to vector<16xi32>
          %add3A_205 = arith.addi %get3A_198, %add3A_204 : vector<16xi32>
          %gather3A_206 = tpu.vector_load_idx %arg11[%add3A_201, %add3A_205] : memref<256x128xf32, #tpu.memory_space<vmem>>[vector<16xi32>, vector<16xi32>], vector<16xf32>,
          %mul3A_207 = arith.mulf %gather3A_202, %mul3A_194 : vector<16xf32>
          %add3A_208 = arith.addf %add3A_190, %mul3A_207 : vector<16xf32>
          %mul3A_209 = arith.mulf %gather3A_206, %mul3A_194 : vector<16xf32>
          %add3A_210 = arith.addf %add3A_192, %mul3A_209 : vector<16xf32>
          %mul3A_211 = arith.mulf %get3A_77, %get3A_81 : vector<16xf32>
          %mul3A_212 = arith.mulf %mul3A_211, %sub3A_93 : vector<16xf32>
          %add3A_213 = arith.constant 4032 : i32
          %add3A_214 = arith.addi %add3A_213, %mul3A_103 : i32
          %get3A_215 = arith.index_cast %add3A_214 : i32 to index
          %get3A_216 = tpu.vector_load %arg9[%get3A_215] {strides = array<i32>} : memref<4096xi32, #tpu.memory_space<vmem>>, vector<16xi32>,
          %add3A_217 = arith.constant 192 : i32
          %add3A_218 = vector.broadcast %add3A_217 : i32 to vector<16xi32>
          %add3A_219 = arith.addi %add3A_101, %add3A_218 : vector<16xi32>
          %gather3A_220 = tpu.vector_load_idx %arg11[%add3A_219, %get3A_216] : memref<256x128xf32, #tpu.memory_space<vmem>>[vector<16xi32>, vector<16xi32>], vector<16xf32>,
          %add3A_221 = arith.constant 1 : i32
          %add3A_222 = vector.broadcast %add3A_221 : i32 to vector<16xi32>
          %add3A_223 = arith.addi %get3A_216, %add3A_222 : vector<16xi32>
          %gather3A_224 = tpu.vector_load_idx %arg11[%add3A_219, %add3A_223] : memref<256x128xf32, #tpu.memory_space<vmem>>[vector<16xi32>, vector<16xi32>], vector<16xf32>,
          %mul3A_225 = arith.mulf %gather3A_220, %mul3A_212 : vector<16xf32>
          %add3A_226 = arith.addf %add3A_208, %mul3A_225 : vector<16xf32>
          %mul3A_227 = arith.mulf %gather3A_224, %mul3A_212 : vector<16xf32>
          %add3A_228 = arith.addf %add3A_210, %mul3A_227 : vector<16xf32>
          %mul3A_229 = arith.mulf %get3A_77, %get3A_81 : vector<16xf32>
          %mul3A_230 = arith.mulf %mul3A_229, %get3A_85 : vector<16xf32>
          %add3A_231 = arith.constant 4064 : i32
          %add3A_232 = arith.addi %add3A_231, %mul3A_103 : i32
          %get3A_233 = arith.index_cast %add3A_232 : i32 to index
          %get3A_234 = tpu.vector_load %arg9[%get3A_233] {strides = array<i32>} : memref<4096xi32, #tpu.memory_space<vmem>>, vector<16xi32>,
          %add3A_235 = arith.constant 224 : i32
          %add3A_236 = vector.broadcast %add3A_235 : i32 to vector<16xi32>
          %add3A_237 = arith.addi %add3A_101, %add3A_236 : vector<16xi32>
          %gather3A_238 = tpu.vector_load_idx %arg11[%add3A_237, %get3A_234] : memref<256x128xf32, #tpu.memory_space<vmem>>[vector<16xi32>, vector<16xi32>], vector<16xf32>,
          %add3A_239 = arith.constant 1 : i32
          %add3A_240 = vector.broadcast %add3A_239 : i32 to vector<16xi32>
          %add3A_241 = arith.addi %get3A_234, %add3A_240 : vector<16xi32>
          %gather3A_242 = tpu.vector_load_idx %arg11[%add3A_237, %add3A_241] : memref<256x128xf32, #tpu.memory_space<vmem>>[vector<16xi32>, vector<16xi32>], vector<16xf32>,
          %mul3A_243 = arith.mulf %gather3A_238, %mul3A_230 : vector<16xf32>
          %add3A_244 = arith.addf %add3A_226, %mul3A_243 : vector<16xf32>
          %mul3A_245 = arith.mulf %gather3A_242, %mul3A_230 : vector<16xf32>
          %add3A_246 = arith.addf %add3A_228, %mul3A_245 : vector<16xf32>
          %add3A_247 = arith.addi %mul3A_26, %add3A_73 : i32
          %swap3A = arith.constant 0 : i32
          %swap3A_248 = arith.index_cast %swap3A : i32 to index
          %swap3A_249 = arith.index_cast %add3A_247 : i32 to index
          %swap3A_250 = tpu.vector_load %arg12[%swap3A_248, %swap3A_249] {strides = array<i32>} : memref<2x8192xf32, #tpu.memory_space<vmem>>, vector<16xf32>,
          tpu.vector_store %arg12[%swap3A_248, %swap3A_249], %add3A_244 {strides = array<i32>} : memref<2x8192xf32, #tpu.memory_space<vmem>>, vector<16xf32>,
          %add3A_251 = arith.addi %mul3A_26, %add3A_73 : i32
          %swap3A_252 = arith.constant 1 : i32
          %swap3A_253 = arith.index_cast %swap3A_252 : i32 to index
          %swap3A_254 = arith.index_cast %add3A_251 : i32 to index
          %swap3A_255 = tpu.vector_load %arg12[%swap3A_253, %swap3A_254] {strides = array<i32>} : memref<2x8192xf32, #tpu.memory_space<vmem>>, vector<16xf32>,
          tpu.vector_store %arg12[%swap3A_253, %swap3A_254], %add3A_246 {strides = array<i32>} : memref<2x8192xf32, #tpu.memory_space<vmem>>, vector<16xf32>,
        }
        %scan3A_68 = arith.constant 2 : i32
      }
      %scan3A_21 = arith.constant 16 : i32
      %mul3A_22 = arith.constant 2 : i32
      %mul3A_23 = arith.muli %mul3A_22, %scan3A_9 : i32
      "tpu.region"() ({
        %run_scoped3A = tpu.sem_alloc : memref<!tpu.dma_semaphore, #tpu.memory_space<semaphore_mem>>
        %dma_start3A = tpu.memref_slice %arg5[%mul3A_23, %mul3A_2] : memref<32x262144xf32, #tpu.memory_space<hbm>> -> memref<2x8192xf32, #tpu.memory_space<hbm>>
        %dma_start3A_24 = tpu.memref_slice %arg5[%mul3A_23, %mul3A_2] : memref<32x262144xf32, #tpu.memory_space<hbm>> -> memref<2x8192xf32, #tpu.memory_space<hbm>>
        tpu.enqueue_dma source(%arg12 : memref<2x8192xf32, #tpu.memory_space<vmem>>) target(%dma_start3A_24 : memref<2x8192xf32, #tpu.memory_space<hbm>>) target_semaphore(%run_scoped3A : memref<!tpu.dma_semaphore, #tpu.memory_space<semaphore_mem>>)
        %dma_wait3A = tpu.memref_slice %arg5[%mul3A_23, %mul3A_2] : memref<32x262144xf32, #tpu.memory_space<hbm>> -> memref<2x8192xf32, #tpu.memory_space<hbm>>
        %dma_wait3A_25 = tpu.memref_slice %arg5[%mul3A_23, %mul3A_2] : memref<32x262144xf32, #tpu.memory_space<hbm>> -> memref<2x8192xf32, #tpu.memory_space<hbm>>
        tpu.wait_dma2 semaphore(%run_scoped3A : memref<!tpu.dma_semaphore, #tpu.memory_space<semaphore_mem>>) src(%arg12 : memref<2x8192xf32, #tpu.memory_space<vmem>>) dst(%dma_wait3A_25 : memref<2x8192xf32, #tpu.memory_space<hbm>>)
        tpu.yield
      }) : () -> ()
    }
    %scan3A_8 = arith.constant 16 : i32
    return
  }
}

</mosaic_0001>

<sc_bundles>
// kernel: _encode.3.cloned.1.call-start
scs
__scs_entry_jumppad:
0x0: {  	(pc) =	sbr.rel $0x88, $3  }
0x1: {  	(tag) =	ssettag $0x0;
	lr =	simm.s32 $0x1  }
0x2: {  	[smem:$0x3F9E] =	sst lr;
	_ =	strace $0xD0000000  }
0x3: {  	_ = 	snop  }
0x4: {  	_ = 	snop  }
0x5: {  	_ = 	snop  }
0x6: {  	_ = 	snop  }
0x7: {  	_ = 	snop  }
__scs_overlays_trampoline_lowered:
0x8: {  	[smem:$0x3FAD] =	sst s0  }
0x9: {  	[smem:$0x3FAE] =	sst s1  }
0xa: {  	[smem:$0x3FAF] =	sst s2  }
0xb: {  	[smem:$0x3FB0] =	sst s3  }
0xc: {  	[smem:$0x3FB1] =	sst s4  }
0xd: {  	[smem:$0x3FB2] =	sst s5  }
0xe: {  	[smem:$0x3FB3] =	sst s6  }
0xf: {  	[smem:$0x3FB4] =	sst s7  }
0x10: {  	[smem:$0x3FB5] =	sst s8  }
0x11: {  	[smem:$0x3FB6] =	sst s9;
	s0 =	simm.s32 @!p0 $0x0  }
0x12: {  	s1 =	sld [smem:$0x3F9C];
	s0 =	simm.s32 @p0 $0x1  }
0x13: {  	[smem:$0x3FB7] =	sst s0;
	s0 =	simm.s32 @!p1 $0x0  }
0x14: {  	s2 =	sld [smem:$0x3F9B];
	s0 =	simm.s32 @p1 $0x1  }
0x15: {  	[smem:$0x3FB8] =	sst s0;
	s0 =	simm.s32 @!p2 $0x0  }
0x16: {  	s3 =	sld [smem:$0x3FDB];
	s0 =	simm.s32 @p2 $0x1  }
0x17: {  	s4 =	simm.s32 $0x1BF5;
	[smem:$0x3FBA] =	sst s0  }
0x18: {  	s0 =	sld [smem:$0x3F9D];
	_ =	swait.ge [sflag:s4], $0x0  }
0x19: {  	s7 =	sld [smem:$0x3F9E]  }
0x1a: {  	s8 =	sadd.s32 $0xFFFFE003, lr  }
0x1b: {  	s9 =	sadd.s32 $0xFFFFFEF7, lr;
	s5 =	simm.s32 $0xFFFFFFFF;
	p2 =	slt.u32 s8, $0xFFFFF086  }
0x1c: {  	p1 =	slt.u32 s9, $0xF7A;
	s5 =	simm.s32 @!p2 $0x0  }
0x1d: {  	s5 =	simm.s32 @p1 $0x1;
	p0 =	seq.s32 s7, s2  }
0x1e: {  	s7 =	smul.u32 @!p0 $0xF7A, s2;
	p2 =	seq.s32 @!p0 s5, $0x0  }
0x1f: {  	s9 =	smul.u32 $0xF7A, s1;
	s8 =	simm.s32 @!p0 $0x1BF5;
	p2 =	por !p2, p0  }
0x20: {  	[sflag:s8] =	ssyncset.s32 @!p0 $0xFFFFF086;
	s6 =	sadd.s32 @!p0 s3, s7;
	s7 =	simm.s32 @!p0 $0x108  }
0x21: {  	s3 =	sadd.s32 s3, s9;
	s6 =	sadd.s32 @!p0 $0x88, s6;
	s7 =	simm.s32 @p2 $0x1082  }
0x22: {  	[simem:s7], [sflag:s8] =	dma.local @!p0 [hbm:s6], $0xF7A  }
0x23: {  	s9 =	sor.u32 $0xD0000000, s2;
	s6 =	simm.s32 $0x108;
	_ =	swait.ge @!p0 [sflag:s8], $0x0  }
0x24: {  	s3 =	sadd.s32 $0x88, s3;
	s6 =	simm.s32 @!p1 $0x1082;
	[sflag:s4] =	ssyncset.s32 $0xFFFFF086  }
0x25: {  	[simem:s6], [sflag:s4] =	dma.local [hbm:s3], $0xF7A  }
0x26: {  	[smem:$0x3F9E] =	sst s1;
	(tag) =	ssettag s2;
	_ =	strace s9  }
0x27: {  	s1 =	sld [smem:$0x3FAE]  }
0x28: {  	s2 =	sld [smem:$0x3FAF]  }
0x29: {  	s4 =	sld [smem:$0x3FB1]  }
0x2a: {  	p0 =	seq.s32 s5, $0x0;
	s5 =	sld [smem:$0x3FB2]  }
0x2b: {  	s6 =	sld [smem:$0x3FB3]  }
0x2c: {  	s7 =	sld [smem:$0x3FB4]  }
0x2d: {  	s3 =	simm.s32 $0x108;
	s8 =	sld [smem:$0x3FB5]  }
0x2e: {  	s3 =	simm.s32 @!p0 $0x1082;
	s9 =	sld [smem:$0x3FB6]  }
0x2f: {  	lr =	sadd.s32 s0, s3;
	s0 =	sld [smem:$0x3FAD]  }
0x30: {  	s3 =	sld [smem:$0x3FB0]  }
0x31: {  	[smem:$0x3FB9] =	sst s10  }
0x32: {  	s10 =	sld [smem:$0x3FB7];
	_ =	sdelay $0x3  }
0x33: {  	p0 =	seq.s32 s10, $0x1;
	s10 =	sld [smem:$0x3FB9];
	_ =	sdelay $0x3  }
0x34: {  	[smem:$0x3FB9] =	sst s10  }
0x35: {  	s10 =	sld [smem:$0x3FB8];
	_ =	sdelay $0x3  }
0x36: {  	p1 =	seq.s32 s10, $0x1;
	s10 =	sld [smem:$0x3FB9];
	_ =	sdelay $0x3  }
0x37: {  	[smem:$0x3FB9] =	sst s10  }
0x38: {  	s10 =	sld [smem:$0x3FBA]  }
0x39: {  	_ = 	snop;
	(pc) =	sbr.ind lr, $3  }
0x3a: {  	_ = 	snop  }
0x3b: {  	_ = 	snop  }
0x3c: {  	p2 =	seq.s32 s10, $0x1;
	s10 =	sld [smem:$0x3FB9]  }
0x3d: {  	_ =	shalt  }
0x3e: {  	_ =	shalt  }
0x3f: {  	_ =	shalt  }
0x40: {  	_ =	shalt  }
0x41: {  	_ =	shalt  }
0x42: {  	_ =	shalt  }
0x43: {  	_ =	shalt  }
0x44: {  	_ =	shalt  }
0x45: {  	_ =	shalt  }
0x46: {  	_ =	shalt  }
0x47: {  	_ =	shalt  }
0x48: {  	_ =	shalt  }
0x49: {  	_ =	shalt  }
0x4a: {  	_ =	shalt  }
0x4b: {  	_ =	shalt  }
0x4c: {  	_ =	shalt  }
0x4d: {  	_ =	shalt  }
0x4e: {  	_ =	shalt  }
0x4f: {  	_ =	shalt  }
0x50: {  	_ =	shalt  }
0x51: {  	_ =	shalt  }
0x52: {  	_ =	shalt  }
0x53: {  	_ =	shalt  }
0x54: {  	_ =	shalt  }
0x55: {  	_ =	shalt  }
0x56: {  	_ =	shalt  }
0x57: {  	_ =	shalt  }
0x58: {  	_ =	shalt  }
0x59: {  	_ =	shalt  }
0x5a: {  	_ =	shalt  }
0x5b: {  	_ =	shalt  }
0x5c: {  	_ =	shalt  }
0x5d: {  	_ =	shalt  }
0x5e: {  	_ =	shalt  }
0x5f: {  	_ =	shalt  }
0x60: {  	_ =	shalt  }
0x61: {  	_ =	shalt  }
0x62: {  	_ =	shalt  }
0x63: {  	_ =	shalt  }
0x64: {  	_ =	shalt  }
0x65: {  	_ =	shalt  }
0x66: {  	_ =	shalt  }
0x67: {  	_ =	shalt  }
0x68: {  	_ =	shalt  }
0x69: {  	_ =	shalt  }
0x6a: {  	_ =	shalt  }
0x6b: {  	_ =	shalt  }
0x6c: {  	_ =	shalt  }
0x6d: {  	_ =	shalt  }
0x6e: {  	_ =	shalt  }
0x6f: {  	_ =	shalt  }
0x70: {  	_ =	shalt  }
0x71: {  	_ =	shalt  }
0x72: {  	_ =	shalt  }
0x73: {  	_ =	shalt  }
0x74: {  	_ =	shalt  }
0x75: {  	_ =	shalt  }
0x76: {  	_ =	shalt  }
0x77: {  	_ =	shalt  }
0x78: {  	_ =	shalt  }
0x79: {  	_ =	shalt  }
0x7a: {  	_ =	shalt  }
0x7b: {  	_ =	shalt  }
0x7c: {  	_ =	shalt  }
0x7d: {  	_ =	shalt  }
0x7e: {  	_ =	shalt  }
0x7f: {  	_ =	shalt  }
0x80: {  	_ =	shalt  }
0x81: {  	_ =	shalt  }
0x82: {  	_ =	shalt  }
0x83: {  	_ =	shalt  }
0x84: {  	_ =	shalt  }
0x85: {  	_ =	shalt  }
0x86: {  	_ =	shalt  }
0x87: {  	_ =	shalt  }
.Lfunc_end0:
.L_simem_size_0:
called_computation_lowered:
.L_overlay_start_0:
0x88: {  	s2 =	sld [smem:$0x3FD9]  }
0x89: {  	s3 =	sld [smem:$0x3FFE];
	_ =	sdelay $0x1  }
0x8a: {  	s1 =	srdreg.scid  }
0x8b: {  	s0 =	sand.u32 $0x1, s1  }
0x8c: {  	s18 =	sshll.u32 s0, $0xA;
	s2 =	sadd.s32 s3, s2  }
0x8d: {  	s2 =	sadd.s32 s2, s18  }
0x8e: {  	[smem:$0x3FC5] =	sst s2  }
0x8f: {  	_ = 	snop  }
0x90: {  	s2 =	sld [smem:$0x3FC9]  }
0x91: {  	s19 =	sld [smem:$0x3FC8]  }
0x92: {  	s4 =	sld [smem:$0x3FC7]  }
0x93: {  	s5 =	sld [smem:$0x3FD0];
	(tm) =	ssettm $0x1  }
0x94: {  	s6 =	sld [smem:$0x3FFB];
	_ =	sdelay $0x3  }
0x95: {  	_ =	strace s6  }
0x96: {  	s6 =	sld [smem:$0x3FFC];
	_ =	sdelay $0x3  }
0x97: {  	_ =	strace s6  }
0x98: {  	s6 =	sld [smem:$0x3FFD];
	_ =	sdelay $0x3  }
0x99: {  	_ =	strace s6  }
0x9a: {  	_ =	strace $0x8FFFFFFF  }
0x9b: {  	s20 =	sld [smem:$0x3FDB];
	_ =	sdelay $0x1  }
0x9c: {  	s7 =	simm.s32 $_scs_section_size  }
0x9d: {  	s8 =	simm.s32 $_size__tile_overlayer_lowered;
	s9 =	simm.s32 $_tile_overlayer_lowered  }
0x9e: {  	s23 =	simm.s32 $0x1BFF;
	s22 =	sshll.u32 s9, $0x1;
	s6 =	sadd.s32 s7, s20  }
0x9f: {  	s10 =	simm.s32 $0x0;
	s21 =	sshll.u32 s8, $0x1;
	s8 =	sadd.s32 s22, s6  }
0xa0: {  	[timem:s10], [sflag:s23] =	dma.local [hbm:s8], s21  }
0xa1: {  	_ =	swait.ge [sflag:s23], s21  }
0xa2: {  	s7 =	ssub.s32 $0x0, s21;
	[sflag:s23] =	ssyncset.done $0x0  }
0xa3: {  	[sflag:s23] =	ssyncadd.s32 s7;
	_ =	sdelay $0x1  }
0xa4: {  	s24 =	simm.s32 $0x1B8B  }
0xa5: {  	_ =	swait.ge [sflag:s24], $0x1  }
0xa6: {  	[sflag:s24] =	ssyncset.done $0x0  }
0xa7: {  	s25 =	simm.s32 $0x1B8E;
	[sflag:s24] =	ssyncadd.s32 $0xFFFFFFFF  }
0xa8: {  	s26 =	simm.s32 $execute0_lowered;
	[smem:$0x3FD2] =	sst s25  }
0xa9: {  	s7 =	sshll.u32 s26, $0x1;
	_ =	strace $0x80000046;
	[dreg:$0x1] =	wrdreg $0xFFFFFFFF  }
0xaa: {  	s28 =	simm.s32 $_size_execute0_lowered;
	s6 =	sadd.s32 s6, s7;
	[dreg:$0x0] =	wrdreg $0x0  }
0xab: {  	s7 =	sshll.u32 s28, $0x1;
	[dreg:$0x2] =	wrdreg s6  }
0xac: {  	[dreg:$0x3] =	wrdreg s7  }
0xad: {  	[dreg:$0x4] =	wrdreg $0xC0  }
0xae: {  	_ =	task [dreg:s10], $0x5FFFF  }
0xaf: {  	[dreg:$0x1] =	wrdreg $0xFFFFFFFF  }
0xb0: {  	[dreg:$0x0] =	wrdreg $0x60  }
0xb1: {  	[dreg:$0x2] =	wrdreg s2  }
0xb2: {  	[dreg:$0x3] =	wrdreg s19  }
0xb3: {  	[dreg:$0x4] =	wrdreg s4  }
0xb4: {  	[dreg:$0x5] =	wrdreg s5  }
0xb5: {  	[dreg:$0x6] =	wrdreg $0x9  }
0xb6: {  	_ =	task.clear_ibuf [dreg:s10], $0x7FFFF;
	_ =	strace $0x90000046  }
0xb7: {  	s29 =	simm.s32 $0x9;
	_ =	strace $0x80000048  }
0xb8: {  	_ =	swait.ge [sflag:s29], $0x1  }
0xb9: {  	[sflag:s29] =	ssyncadd.s32 $0xFFFFFFFF  }
0xba: {  	_ =	strace $0x90000048  }
0xbb: {  	_ =	sfence  }
0xbc: {  	s30 =	sld [smem:$0x0];
	_ =	sdelay $0x2  }
0xbd: {  	s31 =	sshll.u32 s1, $0xD;
	s1 =	sshrl.u32 s1, $0x2  }
0xbe: {  	s3 =	sand.u32 $0x4000, s31;
	s1 =	sadd.s32 s1, s30  }
0xbf: {  	s0 =	sor.u32 s3, s0;
	s1 =	sshll.u32 s1, $0x11  }
0xc0: {  	s0 =	sor.u32 s1, s0  }
0xc1: {  	s0 =	sadd.s32 $0x8F2B, s0  }
0xc2: {  	[sflag:s0] =	ssyncadd.remote.s32 $0x1  }
0xc3: {  	_ =	sfence.sel $0xFFFF  }
0xc4: {  	[dreg:$0x0] =	wrdreg $0xFFFFFFFF;
	(pc) =	sbr.abs _section_cstart, $3  }
0xc5: {  	[dreg:$0x1] =	wrdreg $0xFFFFFFFF  }
0xc6: {  	_ =	task.clear_ibuf [dreg:s10], $0x2FFFF;
	_ =	strace $0x9FFFFFFF  }
0xc7: {  	(tm) =	ssettm $0x7FFFFFFF  }
tec
execute0_lowered:
.L_overlay_start_1:
0x0: {  	(tag) =	ssettag $0x1  }
0x1: {  	s0 =	rddreg [dreg:$0x0]  }
0x2: {  	s1 =	rddreg [dreg:$0x1]  }
0x3: {  	s2 =	rddreg [dreg:$0x3]  }
0x4: {  	s3 =	srdreg.scid;
	s6 =	simm.s32 $0x0;
	s5 =	stileid.u32  }
0x5: {  	s8 =	simm.s32 $0x3;
	s10 =	simm.s32 $0x1;
	s11 =	simm.s32 $0x100  }
0x6: {  	s12 =	simm.s32 $0x8800;
	s13 =	simm.s32 $0xA800;
	s14 =	simm.s32 $0x8900  }
0x7: {  	s15 =	simm.s32 $0x12800;
	s16 =	simm.s32 $0x2;
	s3 =	sand.u32 $0x1, s3  }
0x8: {  	v0 =	vlaneseq.u32;
	s5 =	sshll.u32 s5, $0xD;
	s4 =	ssub.s32 $0x2, s3;
	s3 =	sshll.u32 s3, $0x11  }
0x9: {  	s17 =	simm.s32 $0x400;
	s18 =	simm.s32 $0x1A800;
	v1 =	vmul.u32 $0x80, v0;
	s3 =	sor.u32 s5, s3  }
0xa: {  	s19 =	simm.s32 $0x0;
	s30 =	sshrl.u32 s4, $0x1;
	s5 =	sshrl.u32 s3, $0x1  }
0xb: {  	[smem:$0x7FF] =	sst s6;
	v2 =	vor.u32 $0x7000, v1;
	s4 =	ssub.s32 s4, s30;
	s0 =	sadd.s32 s0, s5  }
0xc: {  	_ =	strace $0x80000047;
	v3 =	vor.u32 $0x6000, v1;
	v4 =	vor.u32 $0x5000, v1;
	v5 =	vor.u32 $0x4000, v1;
	s31 =	smax.u32 s4, $0x1;
	[dreg:$0x5] =	wrdreg s0  }
0xd: {  	s21 =	simm.s32 $0x0;
	v6 =	vor.u32 $0x3000, v1;
	v7 =	vor.u32 $0x2000, v1;
	v8 =	vor.u32 $0x1000, v1;
	s6 =	sadd.s32 s2, s3;
	[dreg:$0x6] =	wrdreg s31  }
.LBB2_1:
0xe: {  	s2 =	simm.s32 $0x0;
	s0 =	rddreg [dreg:$0x5]  }
0xf: {  	[tilespmem:s2], [sflag:$0x3] =	stream.linear.gather [hbm4b:s0+s2], $0x8000, $0x38;
	[tilespmem:$0x1E880] =	vst v63  }
0x10: {  	_ =	swait.ge [sflag:s8], $0x8000  }
0x11: {  	[sflag:s8] =	ssyncset.done $0x0  }
0x12: {  	[sflag:s8] =	ssyncadd.s32 $0xFFFF8000  }
0x13: {  	s3 =	simm.s32 $0x1E800;
	s31 =	rddreg [dreg:$0x2]  }
0x14: {  	[tilespmem:s3], [sflag:$0x3] =	stream.linear.gather [hbm4b:s31+s2], $0x80, $0x38;
	[tilespmem:$0x1E880] =	vst v63  }
0x15: {  	_ =	swait.ge [sflag:s8], $0x80  }
0x16: {  	[sflag:s8] =	ssyncset.done $0x0  }
0x17: {  	[sflag:s8] =	ssyncadd.s32 $0xFFFFFF80  }
0x18: {  	s20 =	simm.s32 $0x0;
	v9 =	vld [tilespmem:$0x1E800]  }
.LBB2_2:
0x19: {  	_ =	sdelay $0x1  }
0x1a: {  	v10 =	vmov s20  }
0x1b: {  	vm0 =	veq.s32 v10, v0  }
0x1c: {  	v10 =	vnsel vm0, $0x0, v9  }
0x1d: {  	(xrf2) =	vadd.scan.msk.f32 $0xffff, v10;
	_ =	sdelay $0x9  }
0x1e: {  	s0 =	sshll.u32 s20, $0xD;
	v10, _, _ =	vpop (xrf2)  }
0x1f: {  	s22 =	simm.s32 $0x0;
	s23 =	simm.s32 $0x0;
	v11 =	vmov s0;
	v10 =	vbroadcast v10, $0xF  }
.LBB2_3:
0x20: {  	s0 =	sadd.s32 $0x0, s22  }
0x21: {  	s2 =	sand.u32 $0x70, s21;
	s0 =	sand.u32 $0x7E00, s0  }
0x22: {  	s3 =	sor.u32 s2, s0  }
0x23: {  	v12 =	vld [tilespmem:s3+$0x100]  }
0x24: {  	v13 =	vld [tilespmem:s3+$0x80];
	_ =	sdelay $0x2  }
0x25: {  	p0 =	por $0x0, $0x0  }
0x26: {  	s24 =	sshll.u32 s23, $0x9;
	s26 =	simm.s32 $0xFFFFF000;
	s0 =	simm.s32 $0x1;
	v15 =	vld [tilespmem:s3+$0x0];
	v12 =	vmul.f32 v12, v10  }
0x27: {  	s29 =	simm.s32 $0x10;
	s31 =	simm.s32 $0xFFFFF080;
	s0 =	simm.s32 @!p0 $0x0;
	v13 =	vmul.f32 v13, v10  }
0x28: {  	s30 =	simm.s32 $0x0;
	s28 =	simm.s32 $0x0;
	s0 =	sshll.u32 s0, $0x4;
	v14 =	vtrunc.f32 v12  }
0x29: {  	s3 =	simm.s32 $0x0;
	s25 =	sadd.s32 $0x0, s0;
	s0 =	simm.s32 $0x0;
	v16 =	vtrunc.f32 v13;
	v14 =	vcvt.f32.s32 v14  }
.LBB2_4:
0x2a: {  	s0 =	sadd.s32 $0x40, s0;
	s3 =	sadd.s32 $0x80, s3  }
0x2b: {  	v15 =	vmul.f32 v15, v10;
	v16 =	vcvt.f32.s32 v16;
	p0 =	por !p0, !p0;
	s4 =	smov.u32 s29;
	s9 =	simm.s32 $0x1  }
0x2c: {  	p1 =	sne.s32 s29, $0x1F0;
	s29 =	sadd.s32 $0x10, s29;
	s9 =	simm.s32 @!p0 $0x0;
	v17 =	vcvt.s32.f32 v14  }
0x2d: {  	s9 =	sshll.u32 s9, $0x4;
	v18 =	vtrunc.f32 v15;
	v19 =	vcvt.s32.f32 v16;
	v16 =	vmul.u32 $0x9E3779B1, v16  }
0x2e: {  	v14 =	vmul.u32 $0x30025795, v14;
	s9 =	sadd.s32 s9, s3;
	v18 =	vcvt.f32.s32 v18;
	v12 =	vsub.f32 v12, v17  }
0x2f: {  	v13 =	vsub.f32 v13, v19;
	v17 =	vadd.s32 $0x9E3779B1, v16  }
0x30: {  	s5 =	sand.u32 $0x600, s30;
	s30 =	smov.u32 s0;
	v21 =	vadd.s32 $0x30025795, v14;
	v19 =	vcvt.s32.f32 v18;
	v20 =	vadd.s32 $0x1, v18  }
0x31: {  	s2 =	sor.u32 s2, s5;
	v22 =	vxor.u32 v18, v16;
	v16 =	vxor.u32 v20, v16;
	v20 =	vxor.u32 v20, v17  }
0x32: {  	v15 =	vsub.f32 v15, v19;
	[tilespmem:s2+$0x8080] =	vst v13;
	v13 =	vxor.u32 v14, v22;
	v19 =	vxor.u32 v22, v21  }
0x33: {  	s5 =	sadd.s32 $0x1000, s26;
	s26 =	smov.u32 s31;
	v17 =	vxor.u32 v18, v17;
	v22 =	vshrl.u32 v13, $0x6;
	v23 =	vshll.u32 v19, $0x1  }
0x34: {  	s7 =	sand.u32 $0x10, s28;
	s28 =	smov.u32 s4;
	s5 =	sand.u32 $0xF00, s5;
	v18 =	vxor.u32 v14, v17;
	v17 =	vxor.u32 v21, v17;
	[tilespmem:s2+$0x8000] =	vst v15;
	v15 =	vand.u32 $0x1FFF, v22  }
0x35: {  	s5 =	sor.u32 s7, s5;
	[tilespmem:s2+$0x8100] =	vst v12;
	v12 =	vor.u32 v11, v15;
	v15 =	vshrl.u32 v19, $0x6;
	v19 =	vand.u32 $0x7E, v23  }
0x36: {  	v13 =	vshll.u32 v13, $0x1;
	v22 =	vshrl.u32 v17, $0x6;
	[tilespmem:s5+$0x9820] =	vst v19;
	v19 =	vshrl.u32 v18, $0x6  }
0x37: {  	s4 =	sadd.s32 s0, s22;
	v22 =	vand.u32 $0x1FFF, v22;
	v18 =	vshll.u32 v18, $0x1;
	v19 =	vand.u32 $0x1FFF, v19  }
0x38: {  	s4 =	sand.u32 $0x7E00, s4;
	s2 =	sand.u32 $0x70, s28;
	v18 =	vand.u32 $0x7E, v18;
	[tilespmem:s5+$0x8800] =	vst v12;
	v12 =	vor.u32 v11, v19;
	v19 =	vor.u32 v11, v22  }
0x39: {  	v13 =	vand.u32 $0x7E, v13;
	s4 =	sor.u32 s2, s4;
	v15 =	vand.u32 $0x1FFF, v15;
	[tilespmem:s5+$0x8840] =	vst v12;
	v12 =	vshll.u32 v17, $0x1  }
0x3a: {  	[tilespmem:s5+$0x9800] =	vst v13;
	v13 =	vor.u32 v11, v15;
	v12 =	vand.u32 $0x7E, v12;
	v15 =	vxor.u32 v14, v16  }
0x3b: {  	v16 =	vxor.u32 v16, v21;
	[tilespmem:s5+$0x8820] =	vst v13;
	v13 =	vshrl.u32 v15, $0x6;
	v15 =	vshll.u32 v15, $0x1  }
0x3c: {  	[tilespmem:s5+$0x9860] =	vst v12;
	v12 =	vand.u32 $0x1FFF, v13;
	v13 =	vshrl.u32 v16, $0x6;
	v16 =	vshll.u32 v16, $0x1  }
0x3d: {  	v17 =	vxor.u32 v21, v20;
	v14 =	vxor.u32 v14, v20;
	[tilespmem:s5+$0x8860] =	vst v19;
	v13 =	vand.u32 $0x1FFF, v13  }
0x3e: {  	v12 =	vor.u32 v11, v12;
	[tilespmem:s5+$0x9840] =	vst v18;
	s5 =	sor.u32 $0x80, s25;
	v18 =	vshrl.u32 v14, $0x6;
	v14 =	vshll.u32 v14, $0x1  }
0x3f: {  	[tilespmem:s5+$0x8800] =	vst v12;
	v12 =	vand.u32 $0x7E, v15;
	v15 =	vand.u32 $0x1FFF, v18;
	v18 =	vshrl.u32 v17, $0x6  }
0x40: {  	v17 =	vshll.u32 v17, $0x1;
	[tilespmem:s5+$0x9800] =	vst v12;
	v12 =	vor.u32 v11, v13;
	s5 =	sor.u32 $0xA0, s25;
	v13 =	vand.u32 $0x1FFF, v18  }
0x41: {  	[tilespmem:s5+$0x8800] =	vst v12;
	v12 =	vand.u32 $0x7E, v16  }
0x42: {  	[tilespmem:s5+$0x9800] =	vst v12;
	v12 =	vor.u32 v11, v15;
	s5 =	sor.u32 $0xC0, s25  }
0x43: {  	[tilespmem:s5+$0x8800] =	vst v12;
	v12 =	vand.u32 $0x7E, v14  }
0x44: {  	[tilespmem:s5+$0x9800] =	vst v12;
	v12 =	vor.u32 v11, v13;
	s5 =	sor.u32 $0xE0, s25;
	v13 =	vand.u32 $0x7E, v17;
	s25 =	smov.u32 s9  }
0x45: {  	[tilespmem:s5+$0x8800] =	vst v12  }
0x46: {  	[tilespmem:s5+$0x9800] =	vst v13  }
0x47: {  	v12 =	vld [tilespmem:s4+$0x100]  }
0x48: {  	v13 =	vld [tilespmem:s4+$0x80];
	_ =	sdelay $0x1  }
0x49: {  	v15 =	vld [tilespmem:s4+$0x0]  }
.Ltmp0:
0x4a: {  	(pc) =	sbr.rel @p1 .LBB2_4-.Ltmp0, $4  }
0x4b: {  	v12 =	vmul.f32 v12, v10  }
0x4c: {  	v13 =	vmul.f32 v13, v10  }
0x4d: {  	v14 =	vtrunc.f32 v12  }
0x4e: {  	s31 =	sadd.s32 $0x80, s31;
	v16 =	vtrunc.f32 v13;
	v14 =	vcvt.f32.s32 v14  }
0x4f: {  	v15 =	vmul.f32 v15, v10;
	v16 =	vcvt.f32.s32 v16  }
0x50: {  	v17 =	vcvt.s32.f32 v14  }
0x51: {  	v32 =	vmul.u32 $0x30025795, v14;
	v18 =	vtrunc.f32 v15;
	v19 =	vcvt.s32.f32 v16  }
0x52: {  	v16 =	vmul.u32 $0x9E3779B1, v16;
	v18 =	vcvt.f32.s32 v18  }
0x53: {  	v12 =	vsub.f32 v12, v17;
	v21 =	vadd.s32 $0x30025795, v32;
	v13 =	vsub.f32 v13, v19  }
0x54: {  	s0 =	sand.u32 $0x600, s30;
	v34 =	vadd.s32 $0x9E3779B1, v16;
	v33 =	vcvt.s32.f32 v18;
	v20 =	vadd.s32 $0x1, v18  }
0x55: {  	s0 =	sor.u32 s2, s0;
	v22 =	vxor.u32 v18, v16;
	v18 =	vxor.u32 v18, v34;
	v16 =	vxor.u32 v20, v16  }
0x56: {  	s9 =	sadd.s32 $0x1000, s26;
	[tilespmem:s0+$0x8100] =	vst v12;
	v35 =	vxor.u32 v32, v22;
	v36 =	vxor.u32 v22, v21;
	v15 =	vsub.f32 v15, v33  }
0x57: {  	s3 =	sand.u32 $0x10, s28;
	s2 =	sand.u32 $0xF00, s9;
	[tilespmem:s0+$0x8080] =	vst v13;
	v38 =	vxor.u32 v32, v18;
	v37 =	vshrl.u32 v35, $0x6;
	v23 =	vshll.u32 v36, $0x1  }
0x58: {  	s26 =	sor.u32 s3, s2;
	v40 =	vshrl.u32 v38, $0x6;
	v22 =	vand.u32 $0x1FFF, v37;
	v39 =	vand.u32 $0x7E, v23;
	[tilespmem:s0+$0x8000] =	vst v15  }
0x59: {  	v19 =	vxor.u32 v20, v34;
	v42 =	vand.u32 $0x1FFF, v40;
	v41 =	vor.u32 v11, v22;
	[tilespmem:s26+$0x9820] =	vst v39  }
0x5a: {  	v17 =	vshrl.u32 v36, $0x6;
	v13 =	vshll.u32 v35, $0x1;
	v12 =	vor.u32 v11, v42;
	[tilespmem:s26+$0x8800] =	vst v41  }
0x5b: {  	v18 =	vxor.u32 v21, v18;
	v13 =	vand.u32 $0x7E, v13;
	v17 =	vand.u32 $0x1FFF, v17;
	[tilespmem:s26+$0x8840] =	vst v12  }
0x5c: {  	v43 =	vshrl.u32 v18, $0x6;
	v18 =	vshll.u32 v18, $0x1;
	v44 =	vor.u32 v11, v17;
	[tilespmem:s26+$0x9800] =	vst v13  }
0x5d: {  	v46 =	vxor.u32 v32, v16;
	v47 =	vshll.u32 v38, $0x1;
	v45 =	vand.u32 $0x7E, v18;
	[tilespmem:s26+$0x8820] =	vst v44  }
0x5e: {  	v48 =	vshrl.u32 v46, $0x6;
	v12 =	vand.u32 $0x1FFF, v43;
	[tilespmem:s26+$0x9860] =	vst v45;
	v13 =	vand.u32 $0x7E, v47  }
0x5f: {  	v16 =	vxor.u32 v16, v21;
	v15 =	vand.u32 $0x1FFF, v48;
	v12 =	vor.u32 v11, v12;
	[tilespmem:s26+$0x9840] =	vst v13  }
0x60: {  	s28 =	sor.u32 $0x80, s25;
	v49 =	vshll.u32 v46, $0x1;
	v50 =	vshrl.u32 v16, $0x6;
	v51 =	vor.u32 v11, v15;
	[tilespmem:s26+$0x8860] =	vst v12  }
0x61: {  	v14 =	vxor.u32 v32, v19;
	v52 =	vand.u32 $0x1FFF, v50;
	v12 =	vand.u32 $0x7E, v49;
	[tilespmem:s28+$0x8800] =	vst v51  }
0x62: {  	s29 =	sor.u32 $0xA0, s25;
	v53 =	vshll.u32 v16, $0x1;
	v54 =	vshrl.u32 v14, $0x6;
	v55 =	vor.u32 v11, v52;
	[tilespmem:s28+$0x9800] =	vst v12  }
0x63: {  	v56 =	vxor.u32 v21, v19;
	v16 =	vand.u32 $0x1FFF, v54;
	v57 =	vand.u32 $0x7E, v53;
	[tilespmem:s29+$0x8800] =	vst v55  }
0x64: {  	s30 =	sor.u32 $0xC0, s25;
	v58 =	vshll.u32 v14, $0x1;
	v59 =	vshrl.u32 v56, $0x6;
	v60 =	vor.u32 v11, v16;
	[tilespmem:s29+$0x9800] =	vst v57  }
0x65: {  	v14 =	vand.u32 $0x1FFF, v59;
	v61 =	vand.u32 $0x7E, v58;
	[tilespmem:s30+$0x8800] =	vst v60  }
0x66: {  	s31 =	sor.u32 $0xE0, s25;
	v62 =	vshll.u32 v56, $0x1;
	v63 =	vor.u32 v11, v14;
	[tilespmem:s30+$0x9800] =	vst v61  }
0x67: {  	v13 =	vand.u32 $0x7E, v62;
	[tilespmem:s31+$0x8800] =	vst v63  }
0x68: {  	[tilespmem:s31+$0x9800] =	vst v13  }
0x69: {  	[tilespmem:s13], [sflag:$0x1] =	stream.indirect.gather [hbm4b:s1+s11], $0x80, s12, s11, $0xb8;
	[tilespmem:$0x1E880] =	vst v63  }
0x6a: {  	s25 =	simm.s32 $0x0  }
0x6b: {  	[tilespmem:s15], [sflag:$0x2] =	stream.indirect.gather [hbm4b:s1+s11], $0x80, s14, s11, $0xb8;
	[tilespmem:$0x1E880] =	vst v63  }
.LBB2_6:
0x6c: {  	_ =	swait.ge [sflag:s10], $0x8000;
	s0 =	sshll.u32 s25, $0x8;
	s2 =	sshll.u32 s25, $0xB  }
0x6d: {  	s3 =	sshll.u32 s25, $0x6;
	p0 =	por $0x1, $0x1;
	s26 =	sshrl.u32 s2, $0x2  }
0x6e: {  	[sflag:s10] =	ssyncset.done $0x0;
	s0 =	sand.u32 $0x600, s0;
	s2 =	sadd.s32 $0x9800, s26  }
0x6f: {  	s5 =	sadd.s32 s24, s3;
	s0 =	sor.u32 $0x8000, s0;
	s4 =	sadd.s32 $0x9820, s26;
	v13 =	vmov s2  }
0x70: {  	s7 =	sadd.s32 $0x9840, s26;
	s9 =	sadd.s32 $0x9860, s26;
	s5 =	sshll.u32 s5, $0x1;
	v14 =	vmov s4  }
0x71: {  	s29 =	sadd.s32 $0x9880, s26;
	s28 =	sadd.s32 $0x98A0, s26;
	v12 =	vmov s0;
	s5 =	sand.u32 $0x3F00, s5;
	v15 =	vmov s7  }
0x72: {  	s30 =	sadd.s32 $0x98C0, s26;
	s31 =	sadd.s32 $0x98E0, s26;
	v16 =	vmov s9;
	v17 =	vmov s29;
	v18 =	vmov s28;
	s5 =	sadd.s32 $0x1A800, s5  }
0x73: {  	[sflag:s10] =	ssyncadd.s32 $0xFFFF8000;
	s28 =	sand.u32 $0x40, s3;
	v19 =	vmov s30;
	v20 =	vmov s31;
	s2 =	simm.s32 $0x0;
	v21 =	vmov s5  }
.LBB2_7:
0x74: {  	v22 =	vld.idx.msk [tilespmem:v13+s2+$0x0 ss:$0x1], $0xffff  }
0x75: {  	v23 =	vmov s2;
	v24 =	vld.idx.msk [tilespmem:v14+s2+$0x0 ss:$0x1], $0xffff  }
0x76: {  	v23 =	vshll.u32 v23, $0x7  }
0x77: {  	v26 =	vor.u32 v1, v23  }
0x78: {  	v35 =	vld.idx.msk [tilespmem:v15+s2+$0x0 ss:$0x1], $0xffff;
	v32 =	vor.u32 v8, v23;
	v36 =	vor.u32 v7, v23;
	v47 =	vor.u32 v6, v23  }
0x79: {  	s0 =	sor.u32 s28, s2;
	v43 =	vld.idx.msk [tilespmem:v16+s2+$0x0 ss:$0x1], $0xffff;
	v55 =	vor.u32 v4, v23;
	v25 =	vand.u32 $0xFFFFFF80, v22;
	v28 =	vand.u32 $0x7F, v22  }
0x7a: {  	v27 =	vld.idx.msk [tilespmem:v12+s0+$0x0 ss:$0x1], $0xffff;
	v22 =	vadd.s32 $0x1, v22;
	v31 =	vand.u32 $0xFFFFFF80, v24;
	v33 =	vand.u32 $0x7F, v24  }
0x7b: {  	v29 =	vld.idx.msk [tilespmem:v12+s0+$0x80 ss:$0x1], $0xffff;
	v24 =	vadd.s32 $0x1, v24;
	v25 =	vadd.s32 v26, v25;
	v37 =	vand.u32 $0xFFFFFF80, v22  }
0x7c: {  	v51 =	vld.idx.msk [tilespmem:v19+s2+$0x0 ss:$0x1], $0xffff;
	v30 =	vand.u32 $0x7F, v22;
	v31 =	vadd.s32 v32, v31;
	v25 =	vor.u32 v28, v25  }
0x7d: {  	v39 =	vand.u32 $0xFFFFFF80, v24;
	v26 =	vadd.s32 v26, v37;
	v38 =	vor.u32 v33, v31  }
0x7e: {  	v22 =	vld.idx.msk [tilespmem:v12+s0+$0x100 ss:$0x1], $0xffff;
	v24 =	vand.u32 $0x7F, v24;
	v40 =	vadd.s32 v32, v39;
	v26 =	vor.u32 v30, v26  }
0x7f: {  	v59 =	vor.u32 v3, v23;
	v44 =	vand.u32 $0xFFFFFF80, v35;
	v39 =	vld.idx.msk [tilespmem:v17+s2+$0x0 ss:$0x1], $0xffff;
	v24 =	vor.u32 v24, v40  }
0x80: {  	v46 =	vand.u32 $0xFFFFFF80, v43;
	v41 =	vsub.f32 $1.000000000e+00, v27;
	v32 =	vsub.f32 $1.000000000e+00, v29;
	v40 =	vld.idx.msk [tilespmem:v18+s2+$0x0 ss:$0x1], $0xffff  }
0x81: {  	v48 =	vand.u32 $0x7F, v43;
	v58 =	vand.u32 $0xFFFFFF80, v51;
	v60 =	vand.u32 $0x7F, v51;
	v25 =	vld.idx.msk [tilespmem:v25+s13+$0x0], $0xffff  }
0x82: {  	v37 =	vadd.s32 $0x1, v35;
	v35 =	vand.u32 $0x7F, v35;
	v42 =	vmul.f32 v32, v41;
	v28 =	vld.idx.msk [tilespmem:v38+s13+$0x0], $0xffff  }
0x83: {  	v31 =	vmul.f32 v29, v41;
	v45 =	vand.u32 $0x7F, v37;
	v32 =	vmul.f32 v32, v27;
	v26 =	vld.idx.msk [tilespmem:v26+s13+$0x0], $0xffff  }
0x84: {  	v30 =	vsub.f32 $1.000000000e+00, v22;
	v33 =	vmul.f32 v42, v22;
	v38 =	vand.u32 $0xFFFFFF80, v37;
	v24 =	vld.idx.msk [tilespmem:v24+s13+$0x0], $0xffff  }
0x85: {  	v50 =	vand.u32 $0xFFFFFF80, v39;
	v41 =	vadd.s32 $0x1, v39;
	v39 =	vand.u32 $0x7F, v39  }
0x86: {  	v34 =	vmul.f32 v30, v42;
	v42 =	vor.u32 v5, v23;
	v54 =	vand.u32 $0xFFFFFF80, v40  }
0x87: {  	v56 =	vadd.s32 $0x1, v40;
	v40 =	vand.u32 $0x7F, v40;
	v23 =	vor.u32 v2, v23  }
0x88: {  	v57 =	vand.u32 $0x7F, v56;
	v25 =	vmul.f32 v34, v25;
	v28 =	vmul.f32 v28, v33  }
0x89: {  	v26 =	vmul.f32 v26, v34;
	v24 =	vmul.f32 v24, v33;
	v33 =	vadd.s32 v36, v44  }
0x8a: {  	v36 =	vadd.s32 v36, v38;
	v34 =	vadd.s32 $0x1, v43;
	v43 =	vand.u32 $0xFFFFFF80, v41  }
0x8b: {  	v38 =	vadd.s32 v42, v50;
	v41 =	vand.u32 $0x7F, v41;
	v44 =	vand.u32 $0xFFFFFF80, v56  }
0x8c: {  	v25 =	vadd.f32 $0.0e+00, v25;
	v33 =	vor.u32 v35, v33;
	v35 =	vor.u32 v45, v36  }
0x8d: {  	v36 =	vadd.s32 v47, v46;
	v49 =	vand.u32 $0xFFFFFF80, v34;
	v34 =	vand.u32 $0x7F, v34  }
0x8e: {  	v42 =	vadd.s32 v42, v43;
	v52 =	vor.u32 v39, v38;
	v39 =	vadd.s32 v55, v54  }
0x8f: {  	v43 =	vadd.s32 $0x1, v51;
	v36 =	vor.u32 v48, v36;
	v37 =	vadd.s32 v47, v49  }
0x90: {  	v45 =	vld.idx.msk [tilespmem:v20+s2+$0x0 ss:$0x1], $0xffff;
	v53 =	vor.u32 v41, v42;
	v39 =	vor.u32 v40, v39;
	v34 =	vor.u32 v34, v37  }
0x91: {  	v41 =	vadd.s32 v55, v44;
	v61 =	vand.u32 $0xFFFFFF80, v43;
	v43 =	vand.u32 $0x7F, v43  }
0x92: {  	v26 =	vadd.f32 $0.0e+00, v26;
	v25 =	vadd.f32 v28, v25;
	v28 =	vmul.f32 v30, v31;
	v33 =	vld.idx.msk [tilespmem:v33+s13+$0x0], $0xffff  }
0x93: {  	v40 =	vor.u32 v57, v41;
	v41 =	vadd.s32 v59, v58;
	v42 =	vadd.s32 v59, v61;
	v35 =	vld.idx.msk [tilespmem:v35+s13+$0x0], $0xffff  }
0x94: {  	v31 =	vmul.f32 v22, v31;
	v41 =	vor.u32 v60, v41;
	v42 =	vor.u32 v43, v42;
	v36 =	vld.idx.msk [tilespmem:v36+s13+$0x0], $0xffff  }
0x95: {  	v62 =	vand.u32 $0xFFFFFF80, v45;
	v46 =	vand.u32 $0x7F, v45;
	v45 =	vadd.s32 $0x1, v45;
	v34 =	vld.idx.msk [tilespmem:v34+s13+$0x0], $0xffff  }
0x96: {  	v37 =	vld.idx.msk [tilespmem:v52+s13+$0x0], $0xffff;
	v44 =	vadd.s32 v23, v62;
	v48 =	vand.u32 $0xFFFFFF80, v45;
	v49 =	vand.u32 $0x7F, v45  }
0x97: {  	v38 =	vld.idx.msk [tilespmem:v53+s13+$0x0], $0xffff;
	v63 =	vor.u32 v46, v44;
	v23 =	vadd.s32 v23, v48;
	v33 =	vmul.f32 v33, v28  }
0x98: {  	v24 =	vadd.f32 v24, v26;
	v51 =	vld.idx.msk [tilespmem:v39+s13+$0x0], $0xffff;
	v23 =	vor.u32 v49, v23;
	v50 =	vmul.f32 v35, v28  }
0x99: {  	v53 =	vmul.f32 v30, v32;
	v54 =	vld.idx.msk [tilespmem:v40+s13+$0x0], $0xffff;
	v52 =	vmul.f32 v36, v31;
	v25 =	vadd.f32 v33, v25  }
0x9a: {  	v27 =	vmul.f32 v29, v27;
	v56 =	vld.idx.msk [tilespmem:v41+s13+$0x0], $0xffff;
	v24 =	vadd.f32 v50, v24;
	v55 =	vmul.f32 v34, v31  }
0x9b: {  	v32 =	vmul.f32 v32, v22;
	v58 =	vld.idx.msk [tilespmem:v42+s13+$0x0], $0xffff;
	v57 =	vmul.f32 v37, v53;
	v25 =	vadd.f32 v52, v25  }
0x9c: {  	v59 =	vmul.f32 v38, v53;
	v60 =	vld.idx.msk [tilespmem:v63+s13+$0x0], $0xffff;
	v24 =	vadd.f32 v55, v24  }
0x9d: {  	v30 =	vmul.f32 v30, v27;
	v28 =	vmul.f32 v51, v32;
	v23 =	vld.idx.msk [tilespmem:v23+s13+$0x0], $0xffff;
	v25 =	vadd.f32 v57, v25  }
0x9e: {  	v61 =	vmul.f32 v54, v32;
	v24 =	vadd.f32 v59, v24  }
0x9f: {  	v22 =	vmul.f32 v22, v27;
	v62 =	vmul.f32 v56, v30;
	v25 =	vadd.f32 v28, v25  }
0xa0: {  	v63 =	vmul.f32 v58, v30;
	v24 =	vadd.f32 v61, v24  }
0xa1: {  	p1 =	por p0, p0;
	v27 =	vmul.f32 v60, v22;
	v25 =	vadd.f32 v62, v25  }
.Ltmp1:
0xa2: {  	v22 =	vmul.f32 v23, v22;
	v24 =	vadd.f32 v63, v24;
	(pc) =	sbr.rel @p1 .LBB2_7-.Ltmp1, $4  }
0xa3: {  	v23 =	vadd.f32 v27, v25  }
0xa4: {  	v22 =	vadd.f32 v22, v24  }
0xa5: {  	[tilespmem:v21+s0+$0x0 ss:$0x1] =	vst.idx.msk $0xffff, v23  }
0xa6: {  	p0 =	por $0x0, $0x0;
	s2 =	simm.s32 $0x10;
	[tilespmem:v21+s0+$0x80 ss:$0x1] =	vst.idx.msk $0xffff, v22  }
0xa7: {  	s0 =	sadd.s32 $0x8A00, s26;
	s29 =	sshllo.u32 s25, $0x1  }
0xa8: {  	[tilespmem:s13], [sflag:$0x1] =	stream.indirect.gather [hbm4b:s1+s11], $0x80, s0, s11, $0xb8;
	[tilespmem:$0x1E880] =	vst v63  }
0xa9: {  	s2 =	sshll.u32 s29, $0x8  }
0xaa: {  	p0 =	por $0x1, $0x1;
	s2 =	sand.u32 $0x3FFFFF00, s2  }
0xab: {  	s0 =	sshll.u32 s29, $0x5;
	_ =	swait.ge [sflag:s16], $0x8000;
	s3 =	sadd.s32 $0x9800, s2  }
0xac: {  	s5 =	sadd.s32 s24, s0;
	[sflag:s16] =	ssyncset.done $0x0;
	s4 =	sadd.s32 $0x9820, s2;
	v13 =	vmov s3  }
0xad: {  	s7 =	sadd.s32 $0x9840, s2;
	s9 =	sadd.s32 $0x9860, s2;
	s5 =	sshll.u32 s5, $0x1;
	v14 =	vmov s4  }
0xae: {  	s28 =	sadd.s32 $0x9880, s2;
	s29 =	sadd.s32 $0x98A0, s2;
	s5 =	sand.u32 $0x7FFFFF00, s5;
	v15 =	vmov s7  }
0xaf: {  	s30 =	sadd.s32 $0x98C0, s2;
	s31 =	sadd.s32 $0x98E0, s2;
	v16 =	vmov s9;
	v17 =	vmov s28;
	v18 =	vmov s29;
	s5 =	sadd.s32 $0x1A800, s5  }
0xb0: {  	s2 =	simm.s32 $0x0;
	[sflag:s16] =	ssyncadd.s32 $0xFFFF8000;
	s28 =	sand.u32 $0x60, s0;
	v19 =	vmov s30;
	v20 =	vmov s31;
	v21 =	vmov s5  }
.LBB2_9:
0xb1: {  	v22 =	vld.idx.msk [tilespmem:v13+s2+$0x0 ss:$0x1], $0xffff  }
0xb2: {  	v23 =	vmov s2;
	v24 =	vld.idx.msk [tilespmem:v14+s2+$0x0 ss:$0x1], $0xffff  }
0xb3: {  	v23 =	vshll.u32 v23, $0x7  }
0xb4: {  	v26 =	vor.u32 v1, v23  }
0xb5: {  	v35 =	vld.idx.msk [tilespmem:v15+s2+$0x0 ss:$0x1], $0xffff;
	v32 =	vor.u32 v8, v23;
	v36 =	vor.u32 v7, v23;
	v47 =	vor.u32 v6, v23  }
0xb6: {  	s0 =	sor.u32 s28, s2;
	v43 =	vld.idx.msk [tilespmem:v16+s2+$0x0 ss:$0x1], $0xffff;
	v55 =	vor.u32 v4, v23;
	v25 =	vand.u32 $0xFFFFFF80, v22;
	v28 =	vand.u32 $0x7F, v22  }
0xb7: {  	v27 =	vld.idx.msk [tilespmem:v12+s0+$0x0 ss:$0x1], $0xffff;
	v22 =	vadd.s32 $0x1, v22;
	v31 =	vand.u32 $0xFFFFFF80, v24;
	v33 =	vand.u32 $0x7F, v24  }
0xb8: {  	v29 =	vld.idx.msk [tilespmem:v12+s0+$0x80 ss:$0x1], $0xffff;
	v24 =	vadd.s32 $0x1, v24;
	v25 =	vadd.s32 v26, v25;
	v37 =	vand.u32 $0xFFFFFF80, v22  }
0xb9: {  	v51 =	vld.idx.msk [tilespmem:v19+s2+$0x0 ss:$0x1], $0xffff;
	v30 =	vand.u32 $0x7F, v22;
	v31 =	vadd.s32 v32, v31;
	v25 =	vor.u32 v28, v25  }
0xba: {  	v39 =	vand.u32 $0xFFFFFF80, v24;
	v26 =	vadd.s32 v26, v37;
	v38 =	vor.u32 v33, v31  }
0xbb: {  	v22 =	vld.idx.msk [tilespmem:v12+s0+$0x100 ss:$0x1], $0xffff;
	v24 =	vand.u32 $0x7F, v24;
	v40 =	vadd.s32 v32, v39;
	v26 =	vor.u32 v30, v26  }
0xbc: {  	v59 =	vor.u32 v3, v23;
	v44 =	vand.u32 $0xFFFFFF80, v35;
	v39 =	vld.idx.msk [tilespmem:v17+s2+$0x0 ss:$0x1], $0xffff;
	v24 =	vor.u32 v24, v40  }
0xbd: {  	v46 =	vand.u32 $0xFFFFFF80, v43;
	v41 =	vsub.f32 $1.000000000e+00, v27;
	v32 =	vsub.f32 $1.000000000e+00, v29;
	v40 =	vld.idx.msk [tilespmem:v18+s2+$0x0 ss:$0x1], $0xffff  }
0xbe: {  	v48 =	vand.u32 $0x7F, v43;
	v58 =	vand.u32 $0xFFFFFF80, v51;
	v60 =	vand.u32 $0x7F, v51;
	v25 =	vld.idx.msk [tilespmem:v25+s15+$0x0], $0xffff  }
0xbf: {  	v37 =	vadd.s32 $0x1, v35;
	v35 =	vand.u32 $0x7F, v35;
	v42 =	vmul.f32 v32, v41;
	v28 =	vld.idx.msk [tilespmem:v38+s15+$0x0], $0xffff  }
0xc0: {  	v31 =	vmul.f32 v29, v41;
	v45 =	vand.u32 $0x7F, v37;
	v32 =	vmul.f32 v32, v27;
	v26 =	vld.idx.msk [tilespmem:v26+s15+$0x0], $0xffff  }
0xc1: {  	v30 =	vsub.f32 $1.000000000e+00, v22;
	v33 =	vmul.f32 v42, v22;
	v38 =	vand.u32 $0xFFFFFF80, v37;
	v24 =	vld.idx.msk [tilespmem:v24+s15+$0x0], $0xffff  }
0xc2: {  	v50 =	vand.u32 $0xFFFFFF80, v39;
	v41 =	vadd.s32 $0x1, v39;
	v39 =	vand.u32 $0x7F, v39  }
0xc3: {  	v34 =	vmul.f32 v30, v42;
	v42 =	vor.u32 v5, v23;
	v54 =	vand.u32 $0xFFFFFF80, v40  }
0xc4: {  	v56 =	vadd.s32 $0x1, v40;
	v40 =	vand.u32 $0x7F, v40;
	v23 =	vor.u32 v2, v23  }
0xc5: {  	v57 =	vand.u32 $0x7F, v56;
	v25 =	vmul.f32 v34, v25;
	v28 =	vmul.f32 v28, v33  }
0xc6: {  	v26 =	vmul.f32 v26, v34;
	v24 =	vmul.f32 v24, v33;
	v33 =	vadd.s32 v36, v44  }
0xc7: {  	v36 =	vadd.s32 v36, v38;
	v34 =	vadd.s32 $0x1, v43;
	v43 =	vand.u32 $0xFFFFFF80, v41  }
0xc8: {  	v38 =	vadd.s32 v42, v50;
	v41 =	vand.u32 $0x7F, v41;
	v44 =	vand.u32 $0xFFFFFF80, v56  }
0xc9: {  	v25 =	vadd.f32 $0.0e+00, v25;
	v33 =	vor.u32 v35, v33;
	v35 =	vor.u32 v45, v36  }
0xca: {  	v36 =	vadd.s32 v47, v46;
	v49 =	vand.u32 $0xFFFFFF80, v34;
	v34 =	vand.u32 $0x7F, v34  }
0xcb: {  	v42 =	vadd.s32 v42, v43;
	v52 =	vor.u32 v39, v38;
	v39 =	vadd.s32 v55, v54  }
0xcc: {  	v43 =	vadd.s32 $0x1, v51;
	v36 =	vor.u32 v48, v36;
	v37 =	vadd.s32 v47, v49  }
0xcd: {  	v45 =	vld.idx.msk [tilespmem:v20+s2+$0x0 ss:$0x1], $0xffff;
	v53 =	vor.u32 v41, v42;
	v39 =	vor.u32 v40, v39;
	v34 =	vor.u32 v34, v37  }
0xce: {  	v41 =	vadd.s32 v55, v44;
	v61 =	vand.u32 $0xFFFFFF80, v43;
	v43 =	vand.u32 $0x7F, v43  }
0xcf: {  	v26 =	vadd.f32 $0.0e+00, v26;
	v25 =	vadd.f32 v28, v25;
	v28 =	vmul.f32 v30, v31;
	v33 =	vld.idx.msk [tilespmem:v33+s15+$0x0], $0xffff  }
0xd0: {  	v40 =	vor.u32 v57, v41;
	v41 =	vadd.s32 v59, v58;
	v42 =	vadd.s32 v59, v61;
	v35 =	vld.idx.msk [tilespmem:v35+s15+$0x0], $0xffff  }
0xd1: {  	v31 =	vmul.f32 v22, v31;
	v41 =	vor.u32 v60, v41;
	v42 =	vor.u32 v43, v42;
	v36 =	vld.idx.msk [tilespmem:v36+s15+$0x0], $0xffff  }
0xd2: {  	v62 =	vand.u32 $0xFFFFFF80, v45;
	v46 =	vand.u32 $0x7F, v45;
	v45 =	vadd.s32 $0x1, v45;
	v34 =	vld.idx.msk [tilespmem:v34+s15+$0x0], $0xffff  }
0xd3: {  	v37 =	vld.idx.msk [tilespmem:v52+s15+$0x0], $0xffff;
	v44 =	vadd.s32 v23, v62;
	v48 =	vand.u32 $0xFFFFFF80, v45;
	v49 =	vand.u32 $0x7F, v45  }
0xd4: {  	v38 =	vld.idx.msk [tilespmem:v53+s15+$0x0], $0xffff;
	v63 =	vor.u32 v46, v44;
	v23 =	vadd.s32 v23, v48;
	v33 =	vmul.f32 v33, v28  }
0xd5: {  	v24 =	vadd.f32 v24, v26;
	v51 =	vld.idx.msk [tilespmem:v39+s15+$0x0], $0xffff;
	v23 =	vor.u32 v49, v23;
	v50 =	vmul.f32 v35, v28  }
0xd6: {  	v53 =	vmul.f32 v30, v32;
	v54 =	vld.idx.msk [tilespmem:v40+s15+$0x0], $0xffff;
	v52 =	vmul.f32 v36, v31;
	v25 =	vadd.f32 v33, v25  }
0xd7: {  	v27 =	vmul.f32 v29, v27;
	v56 =	vld.idx.msk [tilespmem:v41+s15+$0x0], $0xffff;
	v24 =	vadd.f32 v50, v24;
	v55 =	vmul.f32 v34, v31  }
0xd8: {  	v32 =	vmul.f32 v32, v22;
	v58 =	vld.idx.msk [tilespmem:v42+s15+$0x0], $0xffff;
	v57 =	vmul.f32 v37, v53;
	v25 =	vadd.f32 v52, v25  }
0xd9: {  	v59 =	vmul.f32 v38, v53;
	v60 =	vld.idx.msk [tilespmem:v63+s15+$0x0], $0xffff;
	v24 =	vadd.f32 v55, v24  }
0xda: {  	v30 =	vmul.f32 v30, v27;
	v28 =	vmul.f32 v51, v32;
	v23 =	vld.idx.msk [tilespmem:v23+s15+$0x0], $0xffff;
	v25 =	vadd.f32 v57, v25  }
0xdb: {  	v61 =	vmul.f32 v54, v32;
	v24 =	vadd.f32 v59, v24  }
0xdc: {  	v22 =	vmul.f32 v22, v27;
	v62 =	vmul.f32 v56, v30;
	v25 =	vadd.f32 v28, v25  }
0xdd: {  	v63 =	vmul.f32 v58, v30;
	v24 =	vadd.f32 v61, v24  }
0xde: {  	p1 =	por p0, p0;
	v27 =	vmul.f32 v60, v22;
	v25 =	vadd.f32 v62, v25  }
.Ltmp2:
0xdf: {  	v22 =	vmul.f32 v23, v22;
	v24 =	vadd.f32 v63, v24;
	(pc) =	sbr.rel @p1 .LBB2_9-.Ltmp2, $4  }
0xe0: {  	v23 =	vadd.f32 v27, v25  }
0xe1: {  	v22 =	vadd.f32 v22, v24  }
0xe2: {  	[tilespmem:v21+s0+$0x0 ss:$0x1] =	vst.idx.msk $0xffff, v23  }
0xe3: {  	p0 =	por $0x0, $0x0;
	s2 =	simm.s32 $0x10;
	[tilespmem:v21+s0+$0x80 ss:$0x1] =	vst.idx.msk $0xffff, v22  }
0xe4: {  	s25 =	sadd.s32 $0x1, s25  }
0xe5: {  	p0 =	sne.s32 s25, $0x7  }
.Ltmp3:
0xe6: {  	_ = 	snop;
	(pc) =	sbr.rel @p0 .LBB2_6-.Ltmp3, $3  }
0xe7: {  	_ =	sdelay $0x1  }
0xe8: {  	s0 =	sadd.s32 $0x8B00, s26  }
0xe9: {  	[tilespmem:s15], [sflag:$0x2] =	stream.indirect.gather [hbm4b:s1+s11], $0x80, s0, s11, $0xb8;
	[tilespmem:$0x1E880] =	vst v63  }
0xea: {  	s0 =	sshll.u32 s23, $0xA  }
0xeb: {  	_ =	swait.ge [sflag:s10], $0x8000;
	s0 =	sand.u32 $0x3FFFFC00, s0  }
0xec: {  	[sflag:s10] =	ssyncset.done $0x0;
	s2 =	sadd.s32 $0x1AB00, s0  }
0xed: {  	p0 =	por $0x1, $0x1;
	[sflag:s10] =	ssyncadd.s32 $0xFFFF8000;
	s0 =	simm.s32 $0x0;
	v12 =	vmov s2  }
.LBB2_12:
0xee: {  	v13 =	vld [tilespmem:s0+$0xA600]  }
0xef: {  	v14 =	vmov s0;
	v15 =	vld [tilespmem:s0+$0xA620]  }
0xf0: {  	v18 =	vld [tilespmem:s0+$0x8640];
	v14 =	vshll.u32 v14, $0x7  }
0xf1: {  	v26 =	vld [tilespmem:s0+$0xA640];
	v17 =	vor.u32 v1, v14  }
0xf2: {  	v50 =	vld [tilespmem:s0+$0xA660];
	v23 =	vor.u32 v8, v14;
	v27 =	vor.u32 v7, v14;
	v55 =	vor.u32 v6, v14  }
0xf3: {  	v33 =	vor.u32 v5, v14;
	v63 =	vor.u32 v4, v14;
	v43 =	vor.u32 v3, v14  }
0xf4: {  	v14 =	vor.u32 v2, v14;
	v16 =	vand.u32 $0xFFFFFF80, v13;
	v19 =	vand.u32 $0x7F, v13  }
0xf5: {  	v13 =	vadd.s32 $0x1, v13;
	v22 =	vand.u32 $0xFFFFFF80, v15;
	v24 =	vand.u32 $0x7F, v15  }
0xf6: {  	v30 =	vld [tilespmem:s0+$0xA680];
	v15 =	vadd.s32 $0x1, v15;
	v48 =	vsub.f32 $1.000000000e+00, v18;
	v52 =	vand.u32 $0xFFFFFF80, v26  }
0xf7: {  	v31 =	vld [tilespmem:s0+$0xA6A0];
	v28 =	vadd.s32 $0x1, v26;
	v26 =	vand.u32 $0x7F, v26;
	v54 =	vand.u32 $0xFFFFFF80, v50  }
0xf8: {  	v59 =	vld [tilespmem:s0+$0xA6C0];
	v56 =	vand.u32 $0x7F, v50;
	v16 =	vadd.s32 v17, v16;
	v44 =	vand.u32 $0xFFFFFF80, v13  }
0xf9: {  	v36 =	vld [tilespmem:s0+$0xA6E0];
	v21 =	vand.u32 $0x7F, v13;
	v22 =	vadd.s32 v23, v22;
	v16 =	vor.u32 v19, v16  }
0xfa: {  	v20 =	vld [tilespmem:s0+$0x86C0];
	v46 =	vand.u32 $0xFFFFFF80, v15;
	v17 =	vadd.s32 v17, v44;
	v45 =	vor.u32 v24, v22  }
0xfb: {  	v15 =	vand.u32 $0x7F, v15;
	v47 =	vadd.s32 v23, v46;
	v17 =	vor.u32 v21, v17  }
0xfc: {  	v58 =	vand.u32 $0xFFFFFF80, v30;
	v32 =	vadd.s32 $0x1, v30;
	v13 =	vld [tilespmem:s0+$0x8740];
	v15 =	vor.u32 v15, v47  }
0xfd: {  	v30 =	vand.u32 $0x7F, v30;
	v62 =	vand.u32 $0xFFFFFF80, v31;
	v40 =	vadd.s32 $0x1, v31  }
0xfe: {  	v31 =	vand.u32 $0x7F, v31;
	v42 =	vand.u32 $0xFFFFFF80, v59;
	v37 =	vand.u32 $0x7F, v36;
	v16 =	vld.idx.msk [tilespmem:v16+s13+$0x0], $0xffff  }
0xff: {  	v29 =	vand.u32 $0xFFFFFF80, v28;
	v53 =	vand.u32 $0x7F, v28;
	v23 =	vsub.f32 $1.000000000e+00, v20;
	v19 =	vld.idx.msk [tilespmem:v45+s13+$0x0], $0xffff  }
0x100: {  	v34 =	vand.u32 $0xFFFFFF80, v32;
	v32 =	vand.u32 $0x7F, v32;
	v35 =	vand.u32 $0xFFFFFF80, v40;
	v17 =	vld.idx.msk [tilespmem:v17+s13+$0x0], $0xffff  }
0x101: {  	v41 =	vand.u32 $0x7F, v40;
	v49 =	vmul.f32 v23, v48;
	v21 =	vsub.f32 $1.000000000e+00, v13;
	v15 =	vld.idx.msk [tilespmem:v15+s13+$0x0], $0xffff  }
0x102: {  	v22 =	vmul.f32 v20, v48;
	v44 =	vand.u32 $0x7F, v59;
	v23 =	vmul.f32 v23, v18  }
0x103: {  	v46 =	vand.u32 $0xFFFFFF80, v36;
	v24 =	vmul.f32 v49, v13;
	v25 =	vmul.f32 v21, v49  }
0x104: {  	v36 =	vadd.s32 $0x1, v36;
	v51 =	vmul.f32 v21, v22;
	v22 =	vmul.f32 v13, v22  }
0x105: {  	v48 =	vand.u32 $0xFFFFFF80, v36;
	v16 =	vmul.f32 v25, v16;
	v19 =	vmul.f32 v19, v24  }
0x106: {  	v17 =	vmul.f32 v17, v25;
	v15 =	vmul.f32 v15, v24;
	v24 =	vadd.s32 v27, v52  }
0x107: {  	v27 =	vadd.s32 v27, v29;
	v25 =	vadd.s32 $0x1, v50;
	v24 =	vor.u32 v26, v24  }
0x108: {  	v26 =	vor.u32 v53, v27;
	v27 =	vadd.s32 v55, v54;
	v57 =	vand.u32 $0xFFFFFF80, v25  }
0x109: {  	v25 =	vand.u32 $0x7F, v25;
	v27 =	vor.u32 v56, v27;
	v28 =	vadd.s32 v55, v57  }
0x10a: {  	v49 =	vand.u32 $0x7F, v36;
	v29 =	vadd.s32 v33, v58;
	v25 =	vor.u32 v25, v28  }
0x10b: {  	v33 =	vadd.s32 v33, v34;
	v34 =	vadd.s32 $0x1, v59;
	v60 =	vor.u32 v30, v29  }
0x10c: {  	v16 =	vadd.f32 $0.0e+00, v16;
	v61 =	vor.u32 v32, v33;
	v30 =	vadd.s32 v63, v62;
	v24 =	vld.idx.msk [tilespmem:v24+s13+$0x0], $0xffff  }
0x10d: {  	v32 =	vadd.s32 v63, v35;
	v45 =	vand.u32 $0xFFFFFF80, v34;
	v30 =	vor.u32 v31, v30;
	v26 =	vld.idx.msk [tilespmem:v26+s13+$0x0], $0xffff  }
0x10e: {  	v34 =	vand.u32 $0x7F, v34;
	v31 =	vor.u32 v41, v32;
	v32 =	vadd.s32 v43, v42;
	v27 =	vld.idx.msk [tilespmem:v27+s13+$0x0], $0xffff  }
0x10f: {  	v35 =	vadd.s32 v14, v46;
	v33 =	vadd.s32 v43, v45;
	v32 =	vor.u32 v44, v32;
	v25 =	vld.idx.msk [tilespmem:v25+s13+$0x0], $0xffff  }
0x110: {  	v14 =	vadd.s32 v14, v48;
	v17 =	vadd.f32 $0.0e+00, v17;
	v33 =	vor.u32 v34, v33;
	v28 =	vld.idx.msk [tilespmem:v60+s13+$0x0], $0xffff  }
0x111: {  	v47 =	vor.u32 v37, v35;
	v16 =	vadd.f32 v19, v16;
	v29 =	vld.idx.msk [tilespmem:v61+s13+$0x0], $0xffff;
	v24 =	vmul.f32 v24, v51  }
0x112: {  	v14 =	vor.u32 v49, v14;
	v15 =	vadd.f32 v15, v17;
	v50 =	vmul.f32 v26, v51;
	v51 =	vld.idx.msk [tilespmem:v30+s13+$0x0], $0xffff  }
0x113: {  	v53 =	vmul.f32 v21, v23;
	v54 =	vld.idx.msk [tilespmem:v31+s13+$0x0], $0xffff;
	v52 =	vmul.f32 v27, v22;
	v16 =	vadd.f32 v24, v16  }
0x114: {  	v18 =	vmul.f32 v20, v18;
	v56 =	vld.idx.msk [tilespmem:v32+s13+$0x0], $0xffff;
	v15 =	vadd.f32 v50, v15;
	v55 =	vmul.f32 v25, v22  }
0x115: {  	v23 =	vmul.f32 v23, v13;
	v58 =	vld.idx.msk [tilespmem:v33+s13+$0x0], $0xffff;
	v57 =	vmul.f32 v28, v53;
	v16 =	vadd.f32 v52, v16  }
0x116: {  	v60 =	vld.idx.msk [tilespmem:v47+s13+$0x0], $0xffff;
	v59 =	vmul.f32 v29, v53;
	v15 =	vadd.f32 v55, v15  }
0x117: {  	v21 =	vmul.f32 v21, v18;
	v14 =	vld.idx.msk [tilespmem:v14+s13+$0x0], $0xffff;
	v19 =	vmul.f32 v51, v23;
	v16 =	vadd.f32 v57, v16  }
0x118: {  	v61 =	vmul.f32 v54, v23;
	v15 =	vadd.f32 v59, v15  }
0x119: {  	v13 =	vmul.f32 v13, v18;
	v62 =	vmul.f32 v56, v21;
	v16 =	vadd.f32 v19, v16  }
0x11a: {  	v63 =	vmul.f32 v58, v21;
	v15 =	vadd.f32 v61, v15  }
0x11b: {  	p1 =	por p0, p0;
	v18 =	vmul.f32 v60, v13;
	v16 =	vadd.f32 v62, v16  }
.Ltmp4:
0x11c: {  	v13 =	vmul.f32 v14, v13;
	v15 =	vadd.f32 v63, v15;
	(pc) =	sbr.rel @p1 .LBB2_12-.Ltmp4, $4  }
0x11d: {  	v14 =	vadd.f32 v18, v16  }
0x11e: {  	v13 =	vadd.f32 v13, v15  }
0x11f: {  	[tilespmem:v12+s0+$0x40 ss:$0x1] =	vst.idx.msk $0xffff, v14  }
0x120: {  	p0 =	por $0x0, $0x0;
	[tilespmem:v12+s0+$0xC0 ss:$0x1] =	vst.idx.msk $0xffff, v13;
	s0 =	simm.s32 $0x10  }
0x121: {  	_ =	swait.ge [sflag:s16], $0x8000  }
0x122: {  	[sflag:s16] =	ssyncset.done $0x0  }
0x123: {  	s0 =	simm.s32 $0x0;
	p0 =	por $0x1, $0x1;
	[sflag:s16] =	ssyncadd.s32 $0xFFFF8000  }
.LBB2_14:
0x124: {  	v13 =	vld [tilespmem:s0+$0xA700]  }
0x125: {  	v14 =	vmov s0;
	v15 =	vld [tilespmem:s0+$0xA720]  }
0x126: {  	v18 =	vld [tilespmem:s0+$0x8660];
	v14 =	vshll.u32 v14, $0x7  }
0x127: {  	v26 =	vld [tilespmem:s0+$0xA740];
	v17 =	vor.u32 v1, v14  }
0x128: {  	v50 =	vld [tilespmem:s0+$0xA760];
	v23 =	vor.u32 v8, v14;
	v27 =	vor.u32 v7, v14;
	v55 =	vor.u32 v6, v14  }
0x129: {  	v33 =	vor.u32 v5, v14;
	v63 =	vor.u32 v4, v14;
	v43 =	vor.u32 v3, v14  }
0x12a: {  	v14 =	vor.u32 v2, v14;
	v16 =	vand.u32 $0xFFFFFF80, v13;
	v19 =	vand.u32 $0x7F, v13  }
0x12b: {  	v13 =	vadd.s32 $0x1, v13;
	v22 =	vand.u32 $0xFFFFFF80, v15;
	v24 =	vand.u32 $0x7F, v15  }
0x12c: {  	v30 =	vld [tilespmem:s0+$0xA780];
	v15 =	vadd.s32 $0x1, v15;
	v48 =	vsub.f32 $1.000000000e+00, v18;
	v52 =	vand.u32 $0xFFFFFF80, v26  }
0x12d: {  	v31 =	vld [tilespmem:s0+$0xA7A0];
	v28 =	vadd.s32 $0x1, v26;
	v26 =	vand.u32 $0x7F, v26;
	v54 =	vand.u32 $0xFFFFFF80, v50  }
0x12e: {  	v59 =	vld [tilespmem:s0+$0xA7C0];
	v56 =	vand.u32 $0x7F, v50;
	v16 =	vadd.s32 v17, v16;
	v44 =	vand.u32 $0xFFFFFF80, v13  }
0x12f: {  	v36 =	vld [tilespmem:s0+$0xA7E0];
	v21 =	vand.u32 $0x7F, v13;
	v22 =	vadd.s32 v23, v22;
	v16 =	vor.u32 v19, v16  }
0x130: {  	v20 =	vld [tilespmem:s0+$0x86E0];
	v46 =	vand.u32 $0xFFFFFF80, v15;
	v17 =	vadd.s32 v17, v44;
	v45 =	vor.u32 v24, v22  }
0x131: {  	v15 =	vand.u32 $0x7F, v15;
	v47 =	vadd.s32 v23, v46;
	v17 =	vor.u32 v21, v17  }
0x132: {  	v58 =	vand.u32 $0xFFFFFF80, v30;
	v32 =	vadd.s32 $0x1, v30;
	v13 =	vld [tilespmem:s0+$0x8760];
	v15 =	vor.u32 v15, v47  }
0x133: {  	v30 =	vand.u32 $0x7F, v30;
	v62 =	vand.u32 $0xFFFFFF80, v31;
	v40 =	vadd.s32 $0x1, v31  }
0x134: {  	v31 =	vand.u32 $0x7F, v31;
	v42 =	vand.u32 $0xFFFFFF80, v59;
	v37 =	vand.u32 $0x7F, v36;
	v16 =	vld.idx.msk [tilespmem:v16+s15+$0x0], $0xffff  }
0x135: {  	v29 =	vand.u32 $0xFFFFFF80, v28;
	v53 =	vand.u32 $0x7F, v28;
	v23 =	vsub.f32 $1.000000000e+00, v20;
	v19 =	vld.idx.msk [tilespmem:v45+s15+$0x0], $0xffff  }
0x136: {  	v34 =	vand.u32 $0xFFFFFF80, v32;
	v32 =	vand.u32 $0x7F, v32;
	v35 =	vand.u32 $0xFFFFFF80, v40;
	v17 =	vld.idx.msk [tilespmem:v17+s15+$0x0], $0xffff  }
0x137: {  	v41 =	vand.u32 $0x7F, v40;
	v49 =	vmul.f32 v23, v48;
	v21 =	vsub.f32 $1.000000000e+00, v13;
	v15 =	vld.idx.msk [tilespmem:v15+s15+$0x0], $0xffff  }
0x138: {  	v22 =	vmul.f32 v20, v48;
	v44 =	vand.u32 $0x7F, v59;
	v23 =	vmul.f32 v23, v18  }
0x139: {  	v46 =	vand.u32 $0xFFFFFF80, v36;
	v24 =	vmul.f32 v49, v13;
	v25 =	vmul.f32 v21, v49  }
0x13a: {  	v36 =	vadd.s32 $0x1, v36;
	v51 =	vmul.f32 v21, v22;
	v22 =	vmul.f32 v13, v22  }
0x13b: {  	v48 =	vand.u32 $0xFFFFFF80, v36;
	v16 =	vmul.f32 v25, v16;
	v19 =	vmul.f32 v19, v24  }
0x13c: {  	v17 =	vmul.f32 v17, v25;
	v15 =	vmul.f32 v15, v24;
	v24 =	vadd.s32 v27, v52  }
0x13d: {  	v27 =	vadd.s32 v27, v29;
	v25 =	vadd.s32 $0x1, v50;
	v24 =	vor.u32 v26, v24  }
0x13e: {  	v26 =	vor.u32 v53, v27;
	v27 =	vadd.s32 v55, v54;
	v57 =	vand.u32 $0xFFFFFF80, v25  }
0x13f: {  	v25 =	vand.u32 $0x7F, v25;
	v27 =	vor.u32 v56, v27;
	v28 =	vadd.s32 v55, v57  }
0x140: {  	v49 =	vand.u32 $0x7F, v36;
	v29 =	vadd.s32 v33, v58;
	v25 =	vor.u32 v25, v28  }
0x141: {  	v33 =	vadd.s32 v33, v34;
	v34 =	vadd.s32 $0x1, v59;
	v60 =	vor.u32 v30, v29  }
0x142: {  	v16 =	vadd.f32 $0.0e+00, v16;
	v61 =	vor.u32 v32, v33;
	v30 =	vadd.s32 v63, v62;
	v24 =	vld.idx.msk [tilespmem:v24+s15+$0x0], $0xffff  }
0x143: {  	v32 =	vadd.s32 v63, v35;
	v45 =	vand.u32 $0xFFFFFF80, v34;
	v30 =	vor.u32 v31, v30;
	v26 =	vld.idx.msk [tilespmem:v26+s15+$0x0], $0xffff  }
0x144: {  	v34 =	vand.u32 $0x7F, v34;
	v31 =	vor.u32 v41, v32;
	v32 =	vadd.s32 v43, v42;
	v27 =	vld.idx.msk [tilespmem:v27+s15+$0x0], $0xffff  }
0x145: {  	v35 =	vadd.s32 v14, v46;
	v33 =	vadd.s32 v43, v45;
	v32 =	vor.u32 v44, v32;
	v25 =	vld.idx.msk [tilespmem:v25+s15+$0x0], $0xffff  }
0x146: {  	v14 =	vadd.s32 v14, v48;
	v17 =	vadd.f32 $0.0e+00, v17;
	v33 =	vor.u32 v34, v33;
	v28 =	vld.idx.msk [tilespmem:v60+s15+$0x0], $0xffff  }
0x147: {  	v47 =	vor.u32 v37, v35;
	v16 =	vadd.f32 v19, v16;
	v29 =	vld.idx.msk [tilespmem:v61+s15+$0x0], $0xffff;
	v24 =	vmul.f32 v24, v51  }
0x148: {  	v14 =	vor.u32 v49, v14;
	v15 =	vadd.f32 v15, v17;
	v50 =	vmul.f32 v26, v51;
	v51 =	vld.idx.msk [tilespmem:v30+s15+$0x0], $0xffff  }
0x149: {  	v53 =	vmul.f32 v21, v23;
	v54 =	vld.idx.msk [tilespmem:v31+s15+$0x0], $0xffff;
	v52 =	vmul.f32 v27, v22;
	v16 =	vadd.f32 v24, v16  }
0x14a: {  	v18 =	vmul.f32 v20, v18;
	v56 =	vld.idx.msk [tilespmem:v32+s15+$0x0], $0xffff;
	v15 =	vadd.f32 v50, v15;
	v55 =	vmul.f32 v25, v22  }
0x14b: {  	v23 =	vmul.f32 v23, v13;
	v58 =	vld.idx.msk [tilespmem:v33+s15+$0x0], $0xffff;
	v57 =	vmul.f32 v28, v53;
	v16 =	vadd.f32 v52, v16  }
0x14c: {  	v60 =	vld.idx.msk [tilespmem:v47+s15+$0x0], $0xffff;
	v59 =	vmul.f32 v29, v53;
	v15 =	vadd.f32 v55, v15  }
0x14d: {  	v21 =	vmul.f32 v21, v18;
	v14 =	vld.idx.msk [tilespmem:v14+s15+$0x0], $0xffff;
	v19 =	vmul.f32 v51, v23;
	v16 =	vadd.f32 v57, v16  }
0x14e: {  	v61 =	vmul.f32 v54, v23;
	v15 =	vadd.f32 v59, v15  }
0x14f: {  	v13 =	vmul.f32 v13, v18;
	v62 =	vmul.f32 v56, v21;
	v16 =	vadd.f32 v19, v16  }
0x150: {  	v63 =	vmul.f32 v58, v21;
	v15 =	vadd.f32 v61, v15  }
0x151: {  	p1 =	por p0, p0;
	v18 =	vmul.f32 v60, v13;
	v16 =	vadd.f32 v62, v16  }
.Ltmp5:
0x152: {  	v13 =	vmul.f32 v14, v13;
	v15 =	vadd.f32 v63, v15;
	(pc) =	sbr.rel @p1 .LBB2_14-.Ltmp5, $4  }
0x153: {  	v14 =	vadd.f32 v18, v16  }
0x154: {  	v13 =	vadd.f32 v13, v15  }
0x155: {  	[tilespmem:v12+s0+$0x60 ss:$0x1] =	vst.idx.msk $0xffff, v14  }
0x156: {  	p0 =	por $0x0, $0x0;
	[tilespmem:v12+s0+$0xE0 ss:$0x1] =	vst.idx.msk $0xffff, v13;
	s0 =	simm.s32 $0x10  }
0x157: {  	s23 =	sadd.s32 $0x1, s23  }
0x158: {  	p0 =	sne.s32 s23, $0x10  }
.Ltmp6:
0x159: {  	_ = 	snop;
	(pc) =	sbr.rel @p0 .LBB2_3-.Ltmp6, $2  }
0x15a: {  	_ =	sdelay $0x2  }
0x15b: {  	s22 =	sadd.s32 $0x800, s22  }
0x15c: {  	s0 =	sshll.u32 s20, $0x10;
	s2 =	sshll.u32 s20, $0x5  }
0x15d: {  	s20 =	sadd.s32 $0x1, s20;
	s0 =	sand.u32 $0xC0000, s0;
	s2 =	sand.u32 $0x60, s2  }
0x15e: {  	p0 =	sne.s32 s20, $0x10;
	s0 =	sor.u32 s2, s0  }
.Ltmp7:
0x15f: {  	s0 =	sadd.s32 s0, s6;
	(pc) =	sbr.rel @p0 .LBB2_2-.Ltmp7, $4  }
0x160: {  	[hbm4b:s0+s11] =	stream.strided.scatter [tilespmem:s18], [sflag:$0x3], $0x4000, s17, s11, $0x38;
	[tilespmem:$0x1E880] =	vst v63  }
0x161: {  	_ =	swait.ge [sflag:s8], $0x4000  }
0x162: {  	[sflag:s8] =	ssyncset.done $0x0  }
0x163: {  	[sflag:s8] =	ssyncadd.s32 $0xFFFFC000  }
0x164: {  	s19 =	sadd.s32 $0x1, s19;
	s0 =	rddreg [dreg:$0x6]  }
0x165: {  	p0 =	sne.s32 s19, s0  }
.Ltmp8:
0x166: {  	_ = 	snop;
	(pc) =	sbr.rel @p0 .LBB2_1-.Ltmp8, $1  }
0x167: {  	_ =	sdelay $0x3  }
0x168: {  	_ =	sfence.sel $0x180000  }
0x169: {  	[bflag:$0x0] =	sbarrier.arrive $0xFFFF  }
0x16a: {  	_ =	strace $0x90000047  }
0x16b: {  	s0 =	stileid.u32;
	[bflag:$0x2] =	sbarrier.arrive $0xFFFF  }
0x16c: {  	p0 =	sne.s32 s0, $0x0;
	s0 =	rddreg [dreg:$0x4]  }
0x16d: {  	s0 =	sadd.s32 @!p0 $0x100000, s0  }
0x16e: {  	[sflag:s0] =	ssyncadd.tile.s32 @!p0 $0x1;
	_ =	shalt  }
.Lfunc_end2:
_tile_overlayer_lowered:
.L_overlay_start_2:
0x16f: {  	(tag) =	ssettag $0x2  }
0x170: {  	s0 =	rddreg [dreg:$0x0];
	s2 =	stileid.u32  }
0x171: {  	s1 =	rddreg [dreg:$0x1];
	p0 =	sne.s32 s2, $0x0  }
0x172: {  	s3 =	rddreg [dreg:$0x2];
	[bflag:$0x3] =	sbarrier.arrive $0xFFFF;
	s2 =	simm.s32 @!p0 $0x1C03  }
0x173: {  	[timem:s3], [sflag:s2] =	dma.local @!p0 [hbm:s0], s1  }
0x174: {  	s0 =	simm.s32 @!p0 $0x3  }
0x175: {  	_ =	swait.ge @!p0 [sflag:s0], s1  }
0x176: {  	s1 =	ssub.s32 @!p0 $0x0, s1;
	[sflag:s0] =	ssyncset.done @!p0 $0x0  }
0x177: {  	[sflag:s0] =	ssyncadd.s32 @!p0 s1  }
0x178: {  	[bflag:$0x3] =	sbarrier.arrive $0xFFFF  }
0x179: {  	_ =	shalt  }

</sc_bundles>
